<compile_context>
chip_gen: v7x
topology: tpu7x:2x2x1
jax: 0.10.2.dev20260603
libtpu: 0.0.44.dev20260713+nightly
codegen_flags: <defaults>
</compile_context>

<pallas_src>
import functools

import jax
import jax.numpy as jnp
from jax import lax
from jax.experimental import pallas as pl
from jax.experimental.pallas import tpu as pltpu
from jax.experimental.pallas import tpu_sc as plsc

_B = 16384
_NW = 16
_CH = _B // _NW
_MARGIN = 1.0
_L = 16


def _rsqrt_nr(a):
    i = plsc.bitcast(a, jnp.int32)
    i = 0x5F3759DF - lax.shift_right_logical(i, 1)
    y = plsc.bitcast(i, jnp.float32)
    for _ in range(4):
        y = y * (1.5 - 0.5 * a * y * y)
    return y


def _renorm_scale(sq):
    inv = _rsqrt_nr(sq)
    n = sq * inv
    return jnp.where(n > 1.0, 1.0 / (n + 1e-7), 1.0)


def _sc_body(pos_hbm, neg_hbm, tbl_hbm, out_hbm,
             pos_v, neg_v, tbl_v, stab_v, part_v, shared_v, red_v, out_v,
             sem0, sem1, sem2):
    wid = lax.axis_index("s")
    base3 = wid * (_CH * 3)

    cp0 = pltpu.async_copy(pos_hbm.at[pl.ds(base3, _CH * 3)], pos_v, sem0)
    cp1 = pltpu.async_copy(neg_hbm.at[pl.ds(base3, _CH * 3)], neg_v, sem1)
    cp2 = pltpu.async_copy(tbl_hbm, tbl_v, sem2)

    cp2.wait()
    lane = lax.iota(jnp.int32, _L)
    h = lax.shift_right_logical(lane, 2) & 1
    r = lax.shift_right_logical(lane, 1) & 1
    t = lane & 1
    flat = tbl_v

    def ent_c(idx):
        e0 = plsc.load_gather(flat, [idx * _L + 0])
        e1 = plsc.load_gather(flat, [idx * _L + 1])
        p0 = plsc.load_gather(flat, [idx * _L + 2])
        p1 = plsc.load_gather(flat, [idx * _L + 3])
        s = _renorm_scale(e0 * e0 + e1 * e1)
        return (p0 * e0 + p1 * e1) * s

    x = ent_c(h) - ent_c(t)
    re0 = plsc.load_gather(flat, [r * _L + 4])
    re1 = plsc.load_gather(flat, [r * _L + 5])
    re2 = plsc.load_gather(flat, [r * _L + 6])
    rp0 = plsc.load_gather(flat, [r * _L + 7])
    rp1 = plsc.load_gather(flat, [r * _L + 8])
    rp2 = plsc.load_gather(flat, [r * _L + 9])
    sr = _renorm_scale(re0 * re0 + re1 * re1 + re2 * re2)
    d = (jnp.abs(rp0 * x + re0 * sr) + jnp.abs(rp1 * x + re1 * sr)
         + jnp.abs(rp2 * x + re2 * sr))
    stab_v[...] = d * d

    cp0.wait()
    cp1.wait()

    def step(j, acc):
        b3 = (j * _L + lane) * 3
        ph = plsc.load_gather(pos_v, [b3])
        pr = plsc.load_gather(pos_v, [b3 + 1])
        pt = plsc.load_gather(pos_v, [b3 + 2])
        nh = plsc.load_gather(neg_v, [b3])
        nr = plsc.load_gather(neg_v, [b3 + 1])
        nt = plsc.load_gather(neg_v, [b3 + 2])
        sp = plsc.load_gather(stab_v, [ph * 4 + pr * 2 + pt])
        sn = plsc.load_gather(stab_v, [nh * 4 + nr * 2 + nt])
        return acc + jnp.maximum(sp - sn + _MARGIN, 0.0)

    acc = lax.fori_loop(0, _CH // _L, step, jnp.zeros((_L,), jnp.float32))
    part_v[...] = acc
    pltpu.sync_copy(part_v, shared_v.at[wid])
    plsc.subcore_barrier()

    @pl.when(wid == 0)
    def _():
        pltpu.sync_copy(shared_v, red_v)
        tot = red_v[0]
        for s in range(1, _NW):
            tot = tot + red_v[s]
        loss = jnp.sum(tot, axis=0) * (1.0 / _B)
        out_v[...] = jnp.full((_L,), loss, jnp.float32)
        pltpu.sync_copy(out_v, out_hbm)


@functools.cache
def _build_sc_kernel():
    return pl.kernel(
        _sc_body,
        out_type=jax.ShapeDtypeStruct((_L,), jnp.float32),
        mesh=plsc.VectorSubcoreMesh(
            core_axis_name="c", subcore_axis_name="s", num_cores=1,
            num_subcores=_NW),
        scratch_types=[
            pltpu.VMEM((_CH * 3,), jnp.int32),
            pltpu.VMEM((_CH * 3,), jnp.int32),
            pltpu.VMEM((2 * _L,), jnp.float32),
            pltpu.VMEM((_L,), jnp.float32),
            pltpu.VMEM((_L,), jnp.float32),
            pltpu.VMEM_SHARED((_NW, _L), jnp.float32),
            pltpu.VMEM((_NW, _L), jnp.float32),
            pltpu.VMEM((_L,), jnp.float32),
            pltpu.SemaphoreType.DMA,
            pltpu.SemaphoreType.DMA,
            pltpu.SemaphoreType.DMA,
        ],
        compiler_params=pltpu.CompilerParams(needs_layout_passes=False),
    )


def kernel(batch_positives, batch_negatives, ent_emb, rel_emb, ent_proj, rel_proj):
    packed = jnp.concatenate(
        [ent_emb, ent_proj, rel_emb, rel_proj,
         jnp.zeros((2, _L - 10), jnp.float32)], axis=1).reshape(-1)
    out = _build_sc_kernel()(batch_positives.reshape(-1),
                             batch_negatives.reshape(-1), packed)
    return out[0]

# --- scband reference (transcript-rebuilt; emitter-appended) ---
"""Pipeline reference for scband-trans-d-38405597560859 (READ-ONLY COPY).

The authoritative reference and input builder live on the scoring server;
editing this copy changes nothing except your own understanding.
"""

import jax, jax.numpy as jnp
import numpy as np

NUM_ENT = 2
NUM_REL = 2
ENT_DIM = 2
REL_DIM = 3
MARGIN = 1.0
B = 16384


def _renorm(v, max_norm=1.0):
    # emulate torch nn.Embedding(max_norm=1): rows with norm > max_norm are rescaled at lookup
    n = jnp.linalg.norm(v, axis=-1, keepdims=True)
    return jnp.where(n > max_norm, v * (max_norm / (n + 1e-7)), v)


def _project(entity_embs, entity_proj_vecs, relation_projs):
    # transfer_matrices = rp[:, :, None] @ ep[:, None, :] -> [B, REL_DIM, ENT_DIM]
    transfer = jnp.matmul(relation_projs[:, :, None], entity_proj_vecs[:, None, :])
    return jnp.einsum('nmk,nk->nm', transfer, entity_embs)


def setup_inputs(seed: int = 0):
    key = jax.random.key(seed)
    k1, k2, k3, k4, k5, k6 = jax.random.split(key, 6)
    batch_positives = jax.random.randint(k1, (B, 3), 0, 2, dtype=jnp.int32)
    batch_negatives = jax.random.randint(k2, (B, 3), 0, 2, dtype=jnp.int32)
    ent_emb = jax.random.normal(k3, (NUM_ENT, ENT_DIM), dtype=jnp.float32)
    rel_emb = jax.random.normal(k4, (NUM_REL, REL_DIM), dtype=jnp.float32)
    ent_proj = jax.random.normal(k5, (NUM_ENT, ENT_DIM), dtype=jnp.float32)
    rel_proj = jax.random.normal(k6, (NUM_REL, REL_DIM), dtype=jnp.float32)
    return {"batch_positives": batch_positives, "batch_negatives": batch_negatives,
            "ent_emb": ent_emb, "rel_emb": rel_emb, "ent_proj": ent_proj, "rel_proj": rel_proj}


def reference(batch_positives, batch_negatives, ent_emb, rel_emb, ent_proj, rel_proj):
    def triple_scores(triples):
        h_idx = triples[:, 0]
        r_idx = triples[:, 1]
        t_idx = triples[:, 2]
        h = _renorm(jnp.take(ent_emb, h_idx, axis=0))
        r = _renorm(jnp.take(rel_emb, r_idx, axis=0))
        t = _renorm(jnp.take(ent_emb, t_idx, axis=0))
        hp = jnp.take(ent_proj, h_idx, axis=0)
        rp = jnp.take(rel_proj, r_idx, axis=0)
        tp = jnp.take(ent_proj, t_idx, axis=0)
        proj_h = _project(h, hp, rp)
        proj_t = _project(t, tp, rp)
        d = jnp.linalg.norm(proj_h + r - proj_t, ord=1, axis=1)
        return d * d

    pos_scores = triple_scores(batch_positives)
    neg_scores = triple_scores(batch_negatives)
    # MarginRankingLoss with y = -1: mean(max(0, (pos - neg) + margin))
    loss = jnp.mean(jnp.maximum(0.0, (pos_scores - neg_scores) + MARGIN))
    return loss

if __name__ == "__main__":
    import jax
    _d = setup_inputs()
    print(jax.jit(kernel)(*tuple(_d.values())))

</pallas_src>

<mosaic_0001>
#map = affine_map<(d0, d1) -> (0)>
module attributes {stable_mosaic.version = 14 : i64} {
  func.func @_sc_body(%arg0: i32, %arg1: i32, %arg2: memref<49152xi32, #tpu.memory_space<hbm>>, %arg3: memref<49152xi32, #tpu.memory_space<hbm>>, %arg4: memref<32xf32, #tpu.memory_space<hbm>>, %arg5: memref<16xf32, #tpu.memory_space<hbm>>, %arg6: memref<3072xi32, #tpu.memory_space<vmem>>, %arg7: memref<3072xi32, #tpu.memory_space<vmem>>, %arg8: memref<32xf32, #tpu.memory_space<vmem>>, %arg9: memref<16xf32, #tpu.memory_space<vmem>>, %arg10: memref<16xf32, #tpu.memory_space<vmem>>, %arg11: memref<16x16xf32, #tpu.memory_space<vmem_shared>>, %arg12: memref<16x16xf32, #tpu.memory_space<vmem>>, %arg13: memref<16xf32, #tpu.memory_space<vmem>>, %arg14: memref<!tpu.dma_semaphore, #tpu.memory_space<semaphore_mem>>, %arg15: memref<!tpu.dma_semaphore, #tpu.memory_space<semaphore_mem>>, %arg16: memref<!tpu.dma_semaphore, #tpu.memory_space<semaphore_mem>>) attributes {dimension_semantics = [#tpu.dimension_semantics<core_parallel>, #tpu.dimension_semantics<subcore_parallel>], iteration_bounds = array<i64: 1, 16>, scalar_prefetch = 0 : i64, scratch_operands = 11 : i64, tpu.core_type = #tpu.core_type<sc_vector_subcore>, window_params = [{transform_indices = #map}, {transform_indices = #map}, {transform_indices = #map}, {transform_indices = #map}]} {
    %mul3A = arith.constant 3072 : i32
    %mul3A_0 = arith.muli %arg1, %mul3A : i32
    %dma_start3A = tpu.memref_slice %arg2[%mul3A_0] : memref<49152xi32, #tpu.memory_space<hbm>> -> memref<3072xi32, #tpu.memory_space<hbm>>
    %dma_start3A_1 = tpu.memref_slice %arg2[%mul3A_0] : memref<49152xi32, #tpu.memory_space<hbm>> -> memref<3072xi32, #tpu.memory_space<hbm>>
    tpu.enqueue_dma source(%dma_start3A_1 : memref<3072xi32, #tpu.memory_space<hbm>>) target(%arg6 : memref<3072xi32, #tpu.memory_space<vmem>>) target_semaphore(%arg14 : memref<!tpu.dma_semaphore, #tpu.memory_space<semaphore_mem>>)
    %dma_start3A_2 = tpu.memref_slice %arg3[%mul3A_0] : memref<49152xi32, #tpu.memory_space<hbm>> -> memref<3072xi32, #tpu.memory_space<hbm>>
    %dma_start3A_3 = tpu.memref_slice %arg3[%mul3A_0] : memref<49152xi32, #tpu.memory_space<hbm>> -> memref<3072xi32, #tpu.memory_space<hbm>>
    tpu.enqueue_dma source(%dma_start3A_3 : memref<3072xi32, #tpu.memory_space<hbm>>) target(%arg7 : memref<3072xi32, #tpu.memory_space<vmem>>) target_semaphore(%arg15 : memref<!tpu.dma_semaphore, #tpu.memory_space<semaphore_mem>>)
    tpu.enqueue_dma source(%arg4 : memref<32xf32, #tpu.memory_space<hbm>>) target(%arg8 : memref<32xf32, #tpu.memory_space<vmem>>) target_semaphore(%arg16 : memref<!tpu.dma_semaphore, #tpu.memory_space<semaphore_mem>>)
    tpu.wait_dma2 semaphore(%arg16 : memref<!tpu.dma_semaphore, #tpu.memory_space<semaphore_mem>>) src(%arg4 : memref<32xf32, #tpu.memory_space<hbm>>) dst(%arg8 : memref<32xf32, #tpu.memory_space<vmem>>)
    %iota3A = tpu.iota {dimensions = array<i32: 0>} : vector<16xi32>
    %shift_right_logical3A = arith.constant 2 : i32
    %shift_right_logical3A_4 = vector.broadcast %shift_right_logical3A : i32 to vector<16xi32>
    %shift_right_logical3A_5 = arith.shrui %iota3A, %shift_right_logical3A_4 : vector<16xi32>
    %and3A = arith.constant 1 : i32
    %and3A_6 = vector.broadcast %and3A : i32 to vector<16xi32>
    %and3A_7 = arith.andi %shift_right_logical3A_5, %and3A_6 : vector<16xi32>
    %shift_right_logical3A_8 = arith.constant 1 : i32
    %shift_right_logical3A_9 = vector.broadcast %shift_right_logical3A_8 : i32 to vector<16xi32>
    %shift_right_logical3A_10 = arith.shrui %iota3A, %shift_right_logical3A_9 : vector<16xi32>
    %and3A_11 = arith.constant 1 : i32
    %and3A_12 = vector.broadcast %and3A_11 : i32 to vector<16xi32>
    %and3A_13 = arith.andi %shift_right_logical3A_10, %and3A_12 : vector<16xi32>
    %and3A_14 = arith.constant 1 : i32
    %and3A_15 = vector.broadcast %and3A_14 : i32 to vector<16xi32>
    %and3A_16 = arith.andi %iota3A, %and3A_15 : vector<16xi32>
    %mul3A_17 = arith.constant 16 : i32
    %mul3A_18 = vector.broadcast %mul3A_17 : i32 to vector<16xi32>
    %mul3A_19 = arith.muli %and3A_7, %mul3A_18 : vector<16xi32>
    %add3A = arith.constant 0 : i32
    %add3A_20 = vector.broadcast %add3A : i32 to vector<16xi32>
    %add3A_21 = arith.addi %mul3A_19, %add3A_20 : vector<16xi32>
    %gather3A = tpu.vector_load_idx %arg8[%add3A_21] : memref<32xf32, #tpu.memory_space<vmem>>[vector<16xi32>], vector<16xf32>,
    %mul3A_22 = arith.constant 16 : i32
    %mul3A_23 = vector.broadcast %mul3A_22 : i32 to vector<16xi32>
    %mul3A_24 = arith.muli %and3A_7, %mul3A_23 : vector<16xi32>
    %add3A_25 = arith.constant 1 : i32
    %add3A_26 = vector.broadcast %add3A_25 : i32 to vector<16xi32>
    %add3A_27 = arith.addi %mul3A_24, %add3A_26 : vector<16xi32>
    %gather3A_28 = tpu.vector_load_idx %arg8[%add3A_27] : memref<32xf32, #tpu.memory_space<vmem>>[vector<16xi32>], vector<16xf32>,
    %mul3A_29 = arith.constant 16 : i32
    %mul3A_30 = vector.broadcast %mul3A_29 : i32 to vector<16xi32>
    %mul3A_31 = arith.muli %and3A_7, %mul3A_30 : vector<16xi32>
    %add3A_32 = arith.constant 2 : i32
    %add3A_33 = vector.broadcast %add3A_32 : i32 to vector<16xi32>
    %add3A_34 = arith.addi %mul3A_31, %add3A_33 : vector<16xi32>
    %gather3A_35 = tpu.vector_load_idx %arg8[%add3A_34] : memref<32xf32, #tpu.memory_space<vmem>>[vector<16xi32>], vector<16xf32>,
    %mul3A_36 = arith.constant 16 : i32
    %mul3A_37 = vector.broadcast %mul3A_36 : i32 to vector<16xi32>
    %mul3A_38 = arith.muli %and3A_7, %mul3A_37 : vector<16xi32>
    %add3A_39 = arith.constant 3 : i32
    %add3A_40 = vector.broadcast %add3A_39 : i32 to vector<16xi32>
    %add3A_41 = arith.addi %mul3A_38, %add3A_40 : vector<16xi32>
    %gather3A_42 = tpu.vector_load_idx %arg8[%add3A_41] : memref<32xf32, #tpu.memory_space<vmem>>[vector<16xi32>], vector<16xf32>,
    %mul3A_43 = arith.mulf %gather3A, %gather3A : vector<16xf32>
    %mul3A_44 = arith.mulf %gather3A_28, %gather3A_28 : vector<16xf32>
    %add3A_45 = arith.addf %mul3A_43, %mul3A_44 : vector<16xf32>
    %bitcast3A = vector.bitcast %add3A_45 : vector<16xf32> to vector<16xi32>
    %shift_right_logical3A_46 = arith.constant 1 : i32
    %shift_right_logical3A_47 = vector.broadcast %shift_right_logical3A_46 : i32 to vector<16xi32>
    %shift_right_logical3A_48 = arith.shrui %bitcast3A, %shift_right_logical3A_47 : vector<16xi32>
    %sub3A = arith.constant 1597463007 : i32
    %sub3A_49 = vector.broadcast %sub3A : i32 to vector<16xi32>
    %sub3A_50 = arith.subi %sub3A_49, %shift_right_logical3A_48 : vector<16xi32>
    %bitcast3A_51 = vector.bitcast %sub3A_50 : vector<16xi32> to vector<16xf32>
    %mul3A_52 = arith.constant 5.000000e-01 : f32
    %mul3A_53 = vector.broadcast %mul3A_52 : f32 to vector<16xf32>
    %mul3A_54 = arith.mulf %mul3A_53, %add3A_45 : vector<16xf32>
    %mul3A_55 = arith.mulf %mul3A_54, %bitcast3A_51 : vector<16xf32>
    %mul3A_56 = arith.mulf %mul3A_55, %bitcast3A_51 : vector<16xf32>
    %sub3A_57 = arith.constant 1.500000e+00 : f32
    %sub3A_58 = vector.broadcast %sub3A_57 : f32 to vector<16xf32>
    %sub3A_59 = arith.subf %sub3A_58, %mul3A_56 : vector<16xf32>
    %mul3A_60 = arith.mulf %bitcast3A_51, %sub3A_59 : vector<16xf32>
    %mul3A_61 = arith.constant 5.000000e-01 : f32
    %mul3A_62 = vector.broadcast %mul3A_61 : f32 to vector<16xf32>
    %mul3A_63 = arith.mulf %mul3A_62, %add3A_45 : vector<16xf32>
    %mul3A_64 = arith.mulf %mul3A_63, %mul3A_60 : vector<16xf32>
    %mul3A_65 = arith.mulf %mul3A_64, %mul3A_60 : vector<16xf32>
    %sub3A_66 = arith.constant 1.500000e+00 : f32
    %sub3A_67 = vector.broadcast %sub3A_66 : f32 to vector<16xf32>
    %sub3A_68 = arith.subf %sub3A_67, %mul3A_65 : vector<16xf32>
    %mul3A_69 = arith.mulf %mul3A_60, %sub3A_68 : vector<16xf32>
    %mul3A_70 = arith.constant 5.000000e-01 : f32
    %mul3A_71 = vector.broadcast %mul3A_70 : f32 to vector<16xf32>
    %mul3A_72 = arith.mulf %mul3A_71, %add3A_45 : vector<16xf32>
    %mul3A_73 = arith.mulf %mul3A_72, %mul3A_69 : vector<16xf32>
    %mul3A_74 = arith.mulf %mul3A_73, %mul3A_69 : vector<16xf32>
    %sub3A_75 = arith.constant 1.500000e+00 : f32
    %sub3A_76 = vector.broadcast %sub3A_75 : f32 to vector<16xf32>
    %sub3A_77 = arith.subf %sub3A_76, %mul3A_74 : vector<16xf32>
    %mul3A_78 = arith.mulf %mul3A_69, %sub3A_77 : vector<16xf32>
    %mul3A_79 = arith.constant 5.000000e-01 : f32
    %mul3A_80 = vector.broadcast %mul3A_79 : f32 to vector<16xf32>
    %mul3A_81 = arith.mulf %mul3A_80, %add3A_45 : vector<16xf32>
    %mul3A_82 = arith.mulf %mul3A_81, %mul3A_78 : vector<16xf32>
    %mul3A_83 = arith.mulf %mul3A_82, %mul3A_78 : vector<16xf32>
    %sub3A_84 = arith.constant 1.500000e+00 : f32
    %sub3A_85 = vector.broadcast %sub3A_84 : f32 to vector<16xf32>
    %sub3A_86 = arith.subf %sub3A_85, %mul3A_83 : vector<16xf32>
    %mul3A_87 = arith.mulf %mul3A_78, %sub3A_86 : vector<16xf32>
    %mul3A_88 = arith.mulf %add3A_45, %mul3A_87 : vector<16xf32>
    %gt3A = arith.constant 1.000000e+00 : f32
    %gt3A_89 = vector.broadcast %gt3A : f32 to vector<16xf32>
    %gt3A_90 = arith.cmpf ogt, %mul3A_88, %gt3A_89 : vector<16xf32>
    %add3A_91 = arith.constant 1.000000e-07 : f32
    %add3A_92 = vector.broadcast %add3A_91 : f32 to vector<16xf32>
    %add3A_93 = arith.addf %mul3A_88, %add3A_92 : vector<16xf32>
    %div3A = arith.constant 1.000000e+00 : f32
    %div3A_94 = vector.broadcast %div3A : f32 to vector<16xf32>
    %div3A_95 = arith.divf %div3A_94, %add3A_93 : vector<16xf32>
    %jit3A = arith.constant 1.000000e+00 : f32
    %broadcast_in_dim3A = vector.broadcast %jit3A : f32 to vector<16xf32>
    %select_n3A = arith.select %gt3A_90, %div3A_95, %broadcast_in_dim3A : vector<16xi1>, vector<16xf32>
    %mul3A_96 = arith.mulf %gather3A_35, %gather3A : vector<16xf32>
    %mul3A_97 = arith.mulf %gather3A_42, %gather3A_28 : vector<16xf32>
    %add3A_98 = arith.addf %mul3A_96, %mul3A_97 : vector<16xf32>
    %mul3A_99 = arith.mulf %add3A_98, %select_n3A : vector<16xf32>
    %mul3A_100 = arith.constant 16 : i32
    %mul3A_101 = vector.broadcast %mul3A_100 : i32 to vector<16xi32>
    %mul3A_102 = arith.muli %and3A_16, %mul3A_101 : vector<16xi32>
    %add3A_103 = arith.constant 0 : i32
    %add3A_104 = vector.broadcast %add3A_103 : i32 to vector<16xi32>
    %add3A_105 = arith.addi %mul3A_102, %add3A_104 : vector<16xi32>
    %gather3A_106 = tpu.vector_load_idx %arg8[%add3A_105] : memref<32xf32, #tpu.memory_space<vmem>>[vector<16xi32>], vector<16xf32>,
    %mul3A_107 = arith.constant 16 : i32
    %mul3A_108 = vector.broadcast %mul3A_107 : i32 to vector<16xi32>
    %mul3A_109 = arith.muli %and3A_16, %mul3A_108 : vector<16xi32>
    %add3A_110 = arith.constant 1 : i32
    %add3A_111 = vector.broadcast %add3A_110 : i32 to vector<16xi32>
    %add3A_112 = arith.addi %mul3A_109, %add3A_111 : vector<16xi32>
    %gather3A_113 = tpu.vector_load_idx %arg8[%add3A_112] : memref<32xf32, #tpu.memory_space<vmem>>[vector<16xi32>], vector<16xf32>,
    %mul3A_114 = arith.constant 16 : i32
    %mul3A_115 = vector.broadcast %mul3A_114 : i32 to vector<16xi32>
    %mul3A_116 = arith.muli %and3A_16, %mul3A_115 : vector<16xi32>
    %add3A_117 = arith.constant 2 : i32
    %add3A_118 = vector.broadcast %add3A_117 : i32 to vector<16xi32>
    %add3A_119 = arith.addi %mul3A_116, %add3A_118 : vector<16xi32>
    %gather3A_120 = tpu.vector_load_idx %arg8[%add3A_119] : memref<32xf32, #tpu.memory_space<vmem>>[vector<16xi32>], vector<16xf32>,
    %mul3A_121 = arith.constant 16 : i32
    %mul3A_122 = vector.broadcast %mul3A_121 : i32 to vector<16xi32>
    %mul3A_123 = arith.muli %and3A_16, %mul3A_122 : vector<16xi32>
    %add3A_124 = arith.constant 3 : i32
    %add3A_125 = vector.broadcast %add3A_124 : i32 to vector<16xi32>
    %add3A_126 = arith.addi %mul3A_123, %add3A_125 : vector<16xi32>
    %gather3A_127 = tpu.vector_load_idx %arg8[%add3A_126] : memref<32xf32, #tpu.memory_space<vmem>>[vector<16xi32>], vector<16xf32>,
    %mul3A_128 = arith.mulf %gather3A_106, %gather3A_106 : vector<16xf32>
    %mul3A_129 = arith.mulf %gather3A_113, %gather3A_113 : vector<16xf32>
    %add3A_130 = arith.addf %mul3A_128, %mul3A_129 : vector<16xf32>
    %bitcast3A_131 = vector.bitcast %add3A_130 : vector<16xf32> to vector<16xi32>
    %shift_right_logical3A_132 = arith.constant 1 : i32
    %shift_right_logical3A_133 = vector.broadcast %shift_right_logical3A_132 : i32 to vector<16xi32>
    %shift_right_logical3A_134 = arith.shrui %bitcast3A_131, %shift_right_logical3A_133 : vector<16xi32>
    %sub3A_135 = arith.constant 1597463007 : i32
    %sub3A_136 = vector.broadcast %sub3A_135 : i32 to vector<16xi32>
    %sub3A_137 = arith.subi %sub3A_136, %shift_right_logical3A_134 : vector<16xi32>
    %bitcast3A_138 = vector.bitcast %sub3A_137 : vector<16xi32> to vector<16xf32>
    %mul3A_139 = arith.constant 5.000000e-01 : f32
    %mul3A_140 = vector.broadcast %mul3A_139 : f32 to vector<16xf32>
    %mul3A_141 = arith.mulf %mul3A_140, %add3A_130 : vector<16xf32>
    %mul3A_142 = arith.mulf %mul3A_141, %bitcast3A_138 : vector<16xf32>
    %mul3A_143 = arith.mulf %mul3A_142, %bitcast3A_138 : vector<16xf32>
    %sub3A_144 = arith.constant 1.500000e+00 : f32
    %sub3A_145 = vector.broadcast %sub3A_144 : f32 to vector<16xf32>
    %sub3A_146 = arith.subf %sub3A_145, %mul3A_143 : vector<16xf32>
    %mul3A_147 = arith.mulf %bitcast3A_138, %sub3A_146 : vector<16xf32>
    %mul3A_148 = arith.constant 5.000000e-01 : f32
    %mul3A_149 = vector.broadcast %mul3A_148 : f32 to vector<16xf32>
    %mul3A_150 = arith.mulf %mul3A_149, %add3A_130 : vector<16xf32>
    %mul3A_151 = arith.mulf %mul3A_150, %mul3A_147 : vector<16xf32>
    %mul3A_152 = arith.mulf %mul3A_151, %mul3A_147 : vector<16xf32>
    %sub3A_153 = arith.constant 1.500000e+00 : f32
    %sub3A_154 = vector.broadcast %sub3A_153 : f32 to vector<16xf32>
    %sub3A_155 = arith.subf %sub3A_154, %mul3A_152 : vector<16xf32>
    %mul3A_156 = arith.mulf %mul3A_147, %sub3A_155 : vector<16xf32>
    %mul3A_157 = arith.constant 5.000000e-01 : f32
    %mul3A_158 = vector.broadcast %mul3A_157 : f32 to vector<16xf32>
    %mul3A_159 = arith.mulf %mul3A_158, %add3A_130 : vector<16xf32>
    %mul3A_160 = arith.mulf %mul3A_159, %mul3A_156 : vector<16xf32>
    %mul3A_161 = arith.mulf %mul3A_160, %mul3A_156 : vector<16xf32>
    %sub3A_162 = arith.constant 1.500000e+00 : f32
    %sub3A_163 = vector.broadcast %sub3A_162 : f32 to vector<16xf32>
    %sub3A_164 = arith.subf %sub3A_163, %mul3A_161 : vector<16xf32>
    %mul3A_165 = arith.mulf %mul3A_156, %sub3A_164 : vector<16xf32>
    %mul3A_166 = arith.constant 5.000000e-01 : f32
    %mul3A_167 = vector.broadcast %mul3A_166 : f32 to vector<16xf32>
    %mul3A_168 = arith.mulf %mul3A_167, %add3A_130 : vector<16xf32>
    %mul3A_169 = arith.mulf %mul3A_168, %mul3A_165 : vector<16xf32>
    %mul3A_170 = arith.mulf %mul3A_169, %mul3A_165 : vector<16xf32>
    %sub3A_171 = arith.constant 1.500000e+00 : f32
    %sub3A_172 = vector.broadcast %sub3A_171 : f32 to vector<16xf32>
    %sub3A_173 = arith.subf %sub3A_172, %mul3A_170 : vector<16xf32>
    %mul3A_174 = arith.mulf %mul3A_165, %sub3A_173 : vector<16xf32>
    %mul3A_175 = arith.mulf %add3A_130, %mul3A_174 : vector<16xf32>
    %gt3A_176 = arith.constant 1.000000e+00 : f32
    %gt3A_177 = vector.broadcast %gt3A_176 : f32 to vector<16xf32>
    %gt3A_178 = arith.cmpf ogt, %mul3A_175, %gt3A_177 : vector<16xf32>
    %add3A_179 = arith.constant 1.000000e-07 : f32
    %add3A_180 = vector.broadcast %add3A_179 : f32 to vector<16xf32>
    %add3A_181 = arith.addf %mul3A_175, %add3A_180 : vector<16xf32>
    %div3A_182 = arith.constant 1.000000e+00 : f32
    %div3A_183 = vector.broadcast %div3A_182 : f32 to vector<16xf32>
    %div3A_184 = arith.divf %div3A_183, %add3A_181 : vector<16xf32>
    %jit3A_185 = arith.constant 1.000000e+00 : f32
    %broadcast_in_dim3A_186 = vector.broadcast %jit3A_185 : f32 to vector<16xf32>
    %select_n3A_187 = arith.select %gt3A_178, %div3A_184, %broadcast_in_dim3A_186 : vector<16xi1>, vector<16xf32>
    %mul3A_188 = arith.mulf %gather3A_120, %gather3A_106 : vector<16xf32>
    %mul3A_189 = arith.mulf %gather3A_127, %gather3A_113 : vector<16xf32>
    %add3A_190 = arith.addf %mul3A_188, %mul3A_189 : vector<16xf32>
    %mul3A_191 = arith.mulf %add3A_190, %select_n3A_187 : vector<16xf32>
    %sub3A_192 = arith.subf %mul3A_99, %mul3A_191 : vector<16xf32>
    %mul3A_193 = arith.constant 16 : i32
    %mul3A_194 = vector.broadcast %mul3A_193 : i32 to vector<16xi32>
    %mul3A_195 = arith.muli %and3A_13, %mul3A_194 : vector<16xi32>
    %add3A_196 = arith.constant 4 : i32
    %add3A_197 = vector.broadcast %add3A_196 : i32 to vector<16xi32>
    %add3A_198 = arith.addi %mul3A_195, %add3A_197 : vector<16xi32>
    %gather3A_199 = tpu.vector_load_idx %arg8[%add3A_198] : memref<32xf32, #tpu.memory_space<vmem>>[vector<16xi32>], vector<16xf32>,
    %mul3A_200 = arith.constant 16 : i32
    %mul3A_201 = vector.broadcast %mul3A_200 : i32 to vector<16xi32>
    %mul3A_202 = arith.muli %and3A_13, %mul3A_201 : vector<16xi32>
    %add3A_203 = arith.constant 5 : i32
    %add3A_204 = vector.broadcast %add3A_203 : i32 to vector<16xi32>
    %add3A_205 = arith.addi %mul3A_202, %add3A_204 : vector<16xi32>
    %gather3A_206 = tpu.vector_load_idx %arg8[%add3A_205] : memref<32xf32, #tpu.memory_space<vmem>>[vector<16xi32>], vector<16xf32>,
    %mul3A_207 = arith.constant 16 : i32
    %mul3A_208 = vector.broadcast %mul3A_207 : i32 to vector<16xi32>
    %mul3A_209 = arith.muli %and3A_13, %mul3A_208 : vector<16xi32>
    %add3A_210 = arith.constant 6 : i32
    %add3A_211 = vector.broadcast %add3A_210 : i32 to vector<16xi32>
    %add3A_212 = arith.addi %mul3A_209, %add3A_211 : vector<16xi32>
    %gather3A_213 = tpu.vector_load_idx %arg8[%add3A_212] : memref<32xf32, #tpu.memory_space<vmem>>[vector<16xi32>], vector<16xf32>,
    %mul3A_214 = arith.constant 16 : i32
    %mul3A_215 = vector.broadcast %mul3A_214 : i32 to vector<16xi32>
    %mul3A_216 = arith.muli %and3A_13, %mul3A_215 : vector<16xi32>
    %add3A_217 = arith.constant 7 : i32
    %add3A_218 = vector.broadcast %add3A_217 : i32 to vector<16xi32>
    %add3A_219 = arith.addi %mul3A_216, %add3A_218 : vector<16xi32>
    %gather3A_220 = tpu.vector_load_idx %arg8[%add3A_219] : memref<32xf32, #tpu.memory_space<vmem>>[vector<16xi32>], vector<16xf32>,
    %mul3A_221 = arith.constant 16 : i32
    %mul3A_222 = vector.broadcast %mul3A_221 : i32 to vector<16xi32>
    %mul3A_223 = arith.muli %and3A_13, %mul3A_222 : vector<16xi32>
    %add3A_224 = arith.constant 8 : i32
    %add3A_225 = vector.broadcast %add3A_224 : i32 to vector<16xi32>
    %add3A_226 = arith.addi %mul3A_223, %add3A_225 : vector<16xi32>
    %gather3A_227 = tpu.vector_load_idx %arg8[%add3A_226] : memref<32xf32, #tpu.memory_space<vmem>>[vector<16xi32>], vector<16xf32>,
    %mul3A_228 = arith.constant 16 : i32
    %mul3A_229 = vector.broadcast %mul3A_228 : i32 to vector<16xi32>
    %mul3A_230 = arith.muli %and3A_13, %mul3A_229 : vector<16xi32>
    %add3A_231 = arith.constant 9 : i32
    %add3A_232 = vector.broadcast %add3A_231 : i32 to vector<16xi32>
    %add3A_233 = arith.addi %mul3A_230, %add3A_232 : vector<16xi32>
    %gather3A_234 = tpu.vector_load_idx %arg8[%add3A_233] : memref<32xf32, #tpu.memory_space<vmem>>[vector<16xi32>], vector<16xf32>,
    %mul3A_235 = arith.mulf %gather3A_199, %gather3A_199 : vector<16xf32>
    %mul3A_236 = arith.mulf %gather3A_206, %gather3A_206 : vector<16xf32>
    %add3A_237 = arith.addf %mul3A_235, %mul3A_236 : vector<16xf32>
    %mul3A_238 = arith.mulf %gather3A_213, %gather3A_213 : vector<16xf32>
    %add3A_239 = arith.addf %add3A_237, %mul3A_238 : vector<16xf32>
    %bitcast3A_240 = vector.bitcast %add3A_239 : vector<16xf32> to vector<16xi32>
    %shift_right_logical3A_241 = arith.constant 1 : i32
    %shift_right_logical3A_242 = vector.broadcast %shift_right_logical3A_241 : i32 to vector<16xi32>
    %shift_right_logical3A_243 = arith.shrui %bitcast3A_240, %shift_right_logical3A_242 : vector<16xi32>
    %sub3A_244 = arith.constant 1597463007 : i32
    %sub3A_245 = vector.broadcast %sub3A_244 : i32 to vector<16xi32>
    %sub3A_246 = arith.subi %sub3A_245, %shift_right_logical3A_243 : vector<16xi32>
    %bitcast3A_247 = vector.bitcast %sub3A_246 : vector<16xi32> to vector<16xf32>
    %mul3A_248 = arith.constant 5.000000e-01 : f32
    %mul3A_249 = vector.broadcast %mul3A_248 : f32 to vector<16xf32>
    %mul3A_250 = arith.mulf %mul3A_249, %add3A_239 : vector<16xf32>
    %mul3A_251 = arith.mulf %mul3A_250, %bitcast3A_247 : vector<16xf32>
    %mul3A_252 = arith.mulf %mul3A_251, %bitcast3A_247 : vector<16xf32>
    %sub3A_253 = arith.constant 1.500000e+00 : f32
    %sub3A_254 = vector.broadcast %sub3A_253 : f32 to vector<16xf32>
    %sub3A_255 = arith.subf %sub3A_254, %mul3A_252 : vector<16xf32>
    %mul3A_256 = arith.mulf %bitcast3A_247, %sub3A_255 : vector<16xf32>
    %mul3A_257 = arith.constant 5.000000e-01 : f32
    %mul3A_258 = vector.broadcast %mul3A_257 : f32 to vector<16xf32>
    %mul3A_259 = arith.mulf %mul3A_258, %add3A_239 : vector<16xf32>
    %mul3A_260 = arith.mulf %mul3A_259, %mul3A_256 : vector<16xf32>
    %mul3A_261 = arith.mulf %mul3A_260, %mul3A_256 : vector<16xf32>
    %sub3A_262 = arith.constant 1.500000e+00 : f32
    %sub3A_263 = vector.broadcast %sub3A_262 : f32 to vector<16xf32>
    %sub3A_264 = arith.subf %sub3A_263, %mul3A_261 : vector<16xf32>
    %mul3A_265 = arith.mulf %mul3A_256, %sub3A_264 : vector<16xf32>
    %mul3A_266 = arith.constant 5.000000e-01 : f32
    %mul3A_267 = vector.broadcast %mul3A_266 : f32 to vector<16xf32>
    %mul3A_268 = arith.mulf %mul3A_267, %add3A_239 : vector<16xf32>
    %mul3A_269 = arith.mulf %mul3A_268, %mul3A_265 : vector<16xf32>
    %mul3A_270 = arith.mulf %mul3A_269, %mul3A_265 : vector<16xf32>
    %sub3A_271 = arith.constant 1.500000e+00 : f32
    %sub3A_272 = vector.broadcast %sub3A_271 : f32 to vector<16xf32>
    %sub3A_273 = arith.subf %sub3A_272, %mul3A_270 : vector<16xf32>
    %mul3A_274 = arith.mulf %mul3A_265, %sub3A_273 : vector<16xf32>
    %mul3A_275 = arith.constant 5.000000e-01 : f32
    %mul3A_276 = vector.broadcast %mul3A_275 : f32 to vector<16xf32>
    %mul3A_277 = arith.mulf %mul3A_276, %add3A_239 : vector<16xf32>
    %mul3A_278 = arith.mulf %mul3A_277, %mul3A_274 : vector<16xf32>
    %mul3A_279 = arith.mulf %mul3A_278, %mul3A_274 : vector<16xf32>
    %sub3A_280 = arith.constant 1.500000e+00 : f32
    %sub3A_281 = vector.broadcast %sub3A_280 : f32 to vector<16xf32>
    %sub3A_282 = arith.subf %sub3A_281, %mul3A_279 : vector<16xf32>
    %mul3A_283 = arith.mulf %mul3A_274, %sub3A_282 : vector<16xf32>
    %mul3A_284 = arith.mulf %add3A_239, %mul3A_283 : vector<16xf32>
    %gt3A_285 = arith.constant 1.000000e+00 : f32
    %gt3A_286 = vector.broadcast %gt3A_285 : f32 to vector<16xf32>
    %gt3A_287 = arith.cmpf ogt, %mul3A_284, %gt3A_286 : vector<16xf32>
    %add3A_288 = arith.constant 1.000000e-07 : f32
    %add3A_289 = vector.broadcast %add3A_288 : f32 to vector<16xf32>
    %add3A_290 = arith.addf %mul3A_284, %add3A_289 : vector<16xf32>
    %div3A_291 = arith.constant 1.000000e+00 : f32
    %div3A_292 = vector.broadcast %div3A_291 : f32 to vector<16xf32>
    %div3A_293 = arith.divf %div3A_292, %add3A_290 : vector<16xf32>
    %jit3A_294 = arith.constant 1.000000e+00 : f32
    %broadcast_in_dim3A_295 = vector.broadcast %jit3A_294 : f32 to vector<16xf32>
    %select_n3A_296 = arith.select %gt3A_287, %div3A_293, %broadcast_in_dim3A_295 : vector<16xi1>, vector<16xf32>
    %mul3A_297 = arith.mulf %gather3A_220, %sub3A_192 : vector<16xf32>
    %mul3A_298 = arith.mulf %gather3A_199, %select_n3A_296 : vector<16xf32>
    %add3A_299 = arith.addf %mul3A_297, %mul3A_298 : vector<16xf32>
    %abs3A = math.absf %add3A_299 : vector<16xf32>
    %mul3A_300 = arith.mulf %gather3A_227, %sub3A_192 : vector<16xf32>
    %mul3A_301 = arith.mulf %gather3A_206, %select_n3A_296 : vector<16xf32>
    %add3A_302 = arith.addf %mul3A_300, %mul3A_301 : vector<16xf32>
    %abs3A_303 = math.absf %add3A_302 : vector<16xf32>
    %add3A_304 = arith.addf %abs3A, %abs3A_303 : vector<16xf32>
    %mul3A_305 = arith.mulf %gather3A_234, %sub3A_192 : vector<16xf32>
    %mul3A_306 = arith.mulf %gather3A_213, %select_n3A_296 : vector<16xf32>
    %add3A_307 = arith.addf %mul3A_305, %mul3A_306 : vector<16xf32>
    %abs3A_308 = math.absf %add3A_307 : vector<16xf32>
    %add3A_309 = arith.addf %add3A_304, %abs3A_308 : vector<16xf32>
    %mul3A_310 = arith.mulf %add3A_309, %add3A_309 : vector<16xf32>
    %swap3A = arith.constant 0 : index
    %swap3A_311 = tpu.vector_load %arg9[%swap3A] {strides = array<i32>} : memref<16xf32, #tpu.memory_space<vmem>>, vector<16xf32>,
    tpu.vector_store %arg9[%swap3A], %mul3A_310 {strides = array<i32>} : memref<16xf32, #tpu.memory_space<vmem>>, vector<16xf32>,
    %dma_wait3A = tpu.memref_slice %arg2[%mul3A_0] : memref<49152xi32, #tpu.memory_space<hbm>> -> memref<3072xi32, #tpu.memory_space<hbm>>
    %dma_wait3A_312 = tpu.memref_slice %arg2[%mul3A_0] : memref<49152xi32, #tpu.memory_space<hbm>> -> memref<3072xi32, #tpu.memory_space<hbm>>
    tpu.wait_dma2 semaphore(%arg14 : memref<!tpu.dma_semaphore, #tpu.memory_space<semaphore_mem>>) src(%dma_wait3A_312 : memref<3072xi32, #tpu.memory_space<hbm>>) dst(%arg6 : memref<3072xi32, #tpu.memory_space<vmem>>)
    %dma_wait3A_313 = tpu.memref_slice %arg3[%mul3A_0] : memref<49152xi32, #tpu.memory_space<hbm>> -> memref<3072xi32, #tpu.memory_space<hbm>>
    %dma_wait3A_314 = tpu.memref_slice %arg3[%mul3A_0] : memref<49152xi32, #tpu.memory_space<hbm>> -> memref<3072xi32, #tpu.memory_space<hbm>>
    tpu.wait_dma2 semaphore(%arg15 : memref<!tpu.dma_semaphore, #tpu.memory_space<semaphore_mem>>) src(%dma_wait3A_314 : memref<3072xi32, #tpu.memory_space<hbm>>) dst(%arg7 : memref<3072xi32, #tpu.memory_space<vmem>>)
    %broadcast_in_dim3A_315 = arith.constant 0.000000e+00 : f32
    %broadcast_in_dim3A_316 = vector.broadcast %broadcast_in_dim3A_315 : f32 to vector<16xf32>
    %scan3A = arith.constant 0 : i32
    %scan3A_317 = arith.constant 64 : i32
    %scan3A_318 = arith.addi %scan3A, %scan3A_317 : i32
    %scan3A_319 = arith.constant 1 : i32
    %scan3A_320 = scf.for %scan3A_326 = %scan3A to %scan3A_318 step %scan3A_319 iter_args(%scan3A_327 = %broadcast_in_dim3A_316) -> (vector<16xf32>)  : i32 {
      %mul3A_328 = arith.constant 16 : i32
      %mul3A_329 = arith.muli %scan3A_326, %mul3A_328 : i32
      %add3A_330 = vector.broadcast %mul3A_329 : i32 to vector<16xi32>
      %add3A_331 = arith.addi %add3A_330, %iota3A : vector<16xi32>
      %mul3A_332 = arith.constant 3 : i32
      %mul3A_333 = vector.broadcast %mul3A_332 : i32 to vector<16xi32>
      %mul3A_334 = arith.muli %add3A_331, %mul3A_333 : vector<16xi32>
      %gather3A_335 = tpu.vector_load_idx %arg6[%mul3A_334] : memref<3072xi32, #tpu.memory_space<vmem>>[vector<16xi32>], vector<16xi32>,
      %add3A_336 = arith.constant 1 : i32
      %add3A_337 = vector.broadcast %add3A_336 : i32 to vector<16xi32>
      %add3A_338 = arith.addi %mul3A_334, %add3A_337 : vector<16xi32>
      %gather3A_339 = tpu.vector_load_idx %arg6[%add3A_338] : memref<3072xi32, #tpu.memory_space<vmem>>[vector<16xi32>], vector<16xi32>,
      %add3A_340 = arith.constant 2 : i32
      %add3A_341 = vector.broadcast %add3A_340 : i32 to vector<16xi32>
      %add3A_342 = arith.addi %mul3A_334, %add3A_341 : vector<16xi32>
      %gather3A_343 = tpu.vector_load_idx %arg6[%add3A_342] : memref<3072xi32, #tpu.memory_space<vmem>>[vector<16xi32>], vector<16xi32>,
      %gather3A_344 = tpu.vector_load_idx %arg7[%mul3A_334] : memref<3072xi32, #tpu.memory_space<vmem>>[vector<16xi32>], vector<16xi32>,
      %add3A_345 = arith.constant 1 : i32
      %add3A_346 = vector.broadcast %add3A_345 : i32 to vector<16xi32>
      %add3A_347 = arith.addi %mul3A_334, %add3A_346 : vector<16xi32>
      %gather3A_348 = tpu.vector_load_idx %arg7[%add3A_347] : memref<3072xi32, #tpu.memory_space<vmem>>[vector<16xi32>], vector<16xi32>,
      %add3A_349 = arith.constant 2 : i32
      %add3A_350 = vector.broadcast %add3A_349 : i32 to vector<16xi32>
      %add3A_351 = arith.addi %mul3A_334, %add3A_350 : vector<16xi32>
      %gather3A_352 = tpu.vector_load_idx %arg7[%add3A_351] : memref<3072xi32, #tpu.memory_space<vmem>>[vector<16xi32>], vector<16xi32>,
      %mul3A_353 = arith.constant 4 : i32
      %mul3A_354 = vector.broadcast %mul3A_353 : i32 to vector<16xi32>
      %mul3A_355 = arith.muli %gather3A_335, %mul3A_354 : vector<16xi32>
      %mul3A_356 = arith.constant 2 : i32
      %mul3A_357 = vector.broadcast %mul3A_356 : i32 to vector<16xi32>
      %mul3A_358 = arith.muli %gather3A_339, %mul3A_357 : vector<16xi32>
      %add3A_359 = arith.addi %mul3A_355, %mul3A_358 : vector<16xi32>
      %add3A_360 = arith.addi %add3A_359, %gather3A_343 : vector<16xi32>
      %gather3A_361 = tpu.vector_load_idx %arg9[%add3A_360] : memref<16xf32, #tpu.memory_space<vmem>>[vector<16xi32>], vector<16xf32>,
      %mul3A_362 = arith.constant 4 : i32
      %mul3A_363 = vector.broadcast %mul3A_362 : i32 to vector<16xi32>
      %mul3A_364 = arith.muli %gather3A_344, %mul3A_363 : vector<16xi32>
      %mul3A_365 = arith.constant 2 : i32
      %mul3A_366 = vector.broadcast %mul3A_365 : i32 to vector<16xi32>
      %mul3A_367 = arith.muli %gather3A_348, %mul3A_366 : vector<16xi32>
      %add3A_368 = arith.addi %mul3A_364, %mul3A_367 : vector<16xi32>
      %add3A_369 = arith.addi %add3A_368, %gather3A_352 : vector<16xi32>
      %gather3A_370 = tpu.vector_load_idx %arg9[%add3A_369] : memref<16xf32, #tpu.memory_space<vmem>>[vector<16xi32>], vector<16xf32>,
      %sub3A_371 = arith.subf %gather3A_361, %gather3A_370 : vector<16xf32>
      %add3A_372 = arith.constant 1.000000e+00 : f32
      %add3A_373 = vector.broadcast %add3A_372 : f32 to vector<16xf32>
      %add3A_374 = arith.addf %sub3A_371, %add3A_373 : vector<16xf32>
      %max3A = arith.constant 0.000000e+00 : f32
      %max3A_375 = vector.broadcast %max3A : f32 to vector<16xf32>
      %max3A_376 = arith.maximumf %add3A_374, %max3A_375 : vector<16xf32>
      %add3A_377 = arith.addf %scan3A_327, %max3A_376 : vector<16xf32>
      scf.yield %add3A_377 : vector<16xf32>
    }
    %scan3A_321 = arith.constant 64 : i32
    %swap3A_322 = arith.constant 0 : index
    %swap3A_323 = tpu.vector_load %arg10[%swap3A_322] {strides = array<i32>} : memref<16xf32, #tpu.memory_space<vmem>>, vector<16xf32>,
    tpu.vector_store %arg10[%swap3A_322], %scan3A_320 {strides = array<i32>} : memref<16xf32, #tpu.memory_space<vmem>>, vector<16xf32>,
    "tpu.region"() ({
      %run_scoped3A = tpu.sem_alloc : memref<!tpu.dma_semaphore, #tpu.memory_space<semaphore_mem>>
      %dma_start3A_326 = arith.constant 0 : i32
      %dma_start3A_327 = tpu.memref_slice %arg11[%arg1, %dma_start3A_326] : memref<16x16xf32, #tpu.memory_space<vmem_shared>> -> memref<1x16xf32, #tpu.memory_space<vmem_shared>>
      %dma_start3A_328 = tpu.memref_squeeze %dma_start3A_327 : memref<1x16xf32, #tpu.memory_space<vmem_shared>> -> memref<16xf32, #tpu.memory_space<vmem_shared>>
      %dma_start3A_329 = arith.constant 0 : i32
      %dma_start3A_330 = tpu.memref_slice %arg11[%arg1, %dma_start3A_329] : memref<16x16xf32, #tpu.memory_space<vmem_shared>> -> memref<1x16xf32, #tpu.memory_space<vmem_shared>>
      %dma_start3A_331 = tpu.memref_squeeze %dma_start3A_330 : memref<1x16xf32, #tpu.memory_space<vmem_shared>> -> memref<16xf32, #tpu.memory_space<vmem_shared>>
      tpu.enqueue_dma source(%arg10 : memref<16xf32, #tpu.memory_space<vmem>>) target(%dma_start3A_331 : memref<16xf32, #tpu.memory_space<vmem_shared>>) target_semaphore(%run_scoped3A : memref<!tpu.dma_semaphore, #tpu.memory_space<semaphore_mem>>)
      %dma_wait3A_332 = arith.constant 0 : i32
      %dma_wait3A_333 = tpu.memref_slice %arg11[%arg1, %dma_wait3A_332] : memref<16x16xf32, #tpu.memory_space<vmem_shared>> -> memref<1x16xf32, #tpu.memory_space<vmem_shared>>
      %dma_wait3A_334 = tpu.memref_squeeze %dma_wait3A_333 : memref<1x16xf32, #tpu.memory_space<vmem_shared>> -> memref<16xf32, #tpu.memory_space<vmem_shared>>
      %dma_wait3A_335 = arith.constant 0 : i32
      %dma_wait3A_336 = tpu.memref_slice %arg11[%arg1, %dma_wait3A_335] : memref<16x16xf32, #tpu.memory_space<vmem_shared>> -> memref<1x16xf32, #tpu.memory_space<vmem_shared>>
      %dma_wait3A_337 = tpu.memref_squeeze %dma_wait3A_336 : memref<1x16xf32, #tpu.memory_space<vmem_shared>> -> memref<16xf32, #tpu.memory_space<vmem_shared>>
      tpu.wait_dma2 semaphore(%run_scoped3A : memref<!tpu.dma_semaphore, #tpu.memory_space<semaphore_mem>>) src(%arg10 : memref<16xf32, #tpu.memory_space<vmem>>) dst(%dma_wait3A_337 : memref<16xf32, #tpu.memory_space<vmem_shared>>)
      tpu.yield
    }) : () -> ()
    %barrier3A = arith.constant 0 : index
    tpu.barrier barrier_id(%barrier3A)
    %eq3A = arith.constant 0 : i32
    %eq3A_324 = arith.cmpi eq, %arg1, %eq3A : i32
    %convert_element_type3A = arith.extui %eq3A_324 : i1 to i32
    %cond3A = arith.constant 0 : i32
    %cond3A_325 = arith.cmpi ne, %convert_element_type3A, %cond3A : i32
    scf.if %cond3A_325 {
      "tpu.region"() ({
        %run_scoped3A = tpu.sem_alloc : memref<!tpu.dma_semaphore, #tpu.memory_space<semaphore_mem>>
        tpu.enqueue_dma source(%arg11 : memref<16x16xf32, #tpu.memory_space<vmem_shared>>) target(%arg12 : memref<16x16xf32, #tpu.memory_space<vmem>>) target_semaphore(%run_scoped3A : memref<!tpu.dma_semaphore, #tpu.memory_space<semaphore_mem>>)
        tpu.wait_dma2 semaphore(%run_scoped3A : memref<!tpu.dma_semaphore, #tpu.memory_space<semaphore_mem>>) src(%arg11 : memref<16x16xf32, #tpu.memory_space<vmem_shared>>) dst(%arg12 : memref<16x16xf32, #tpu.memory_space<vmem>>)
        tpu.yield
      }) : () -> ()
      %get3A = arith.constant 0 : i32
      %get3A_326 = arith.index_cast %get3A : i32 to index
      %get3A_327 = arith.constant 0 : index
      %get3A_328 = tpu.vector_load %arg12[%get3A_326, %get3A_327] {strides = array<i32>} : memref<16x16xf32, #tpu.memory_space<vmem>>, vector<16xf32>,
      %get3A_329 = arith.constant 1 : i32
      %get3A_330 = arith.index_cast %get3A_329 : i32 to index
      %get3A_331 = arith.constant 0 : index
      %get3A_332 = tpu.vector_load %arg12[%get3A_330, %get3A_331] {strides = array<i32>} : memref<16x16xf32, #tpu.memory_space<vmem>>, vector<16xf32>,
      %add3A_333 = arith.addf %get3A_328, %get3A_332 : vector<16xf32>
      %get3A_334 = arith.constant 2 : i32
      %get3A_335 = arith.index_cast %get3A_334 : i32 to index
      %get3A_336 = arith.constant 0 : index
      %get3A_337 = tpu.vector_load %arg12[%get3A_335, %get3A_336] {strides = array<i32>} : memref<16x16xf32, #tpu.memory_space<vmem>>, vector<16xf32>,
      %add3A_338 = arith.addf %add3A_333, %get3A_337 : vector<16xf32>
      %get3A_339 = arith.constant 3 : i32
      %get3A_340 = arith.index_cast %get3A_339 : i32 to index
      %get3A_341 = arith.constant 0 : index
      %get3A_342 = tpu.vector_load %arg12[%get3A_340, %get3A_341] {strides = array<i32>} : memref<16x16xf32, #tpu.memory_space<vmem>>, vector<16xf32>,
      %add3A_343 = arith.addf %add3A_338, %get3A_342 : vector<16xf32>
      %get3A_344 = arith.constant 4 : i32
      %get3A_345 = arith.index_cast %get3A_344 : i32 to index
      %get3A_346 = arith.constant 0 : index
      %get3A_347 = tpu.vector_load %arg12[%get3A_345, %get3A_346] {strides = array<i32>} : memref<16x16xf32, #tpu.memory_space<vmem>>, vector<16xf32>,
      %add3A_348 = arith.addf %add3A_343, %get3A_347 : vector<16xf32>
      %get3A_349 = arith.constant 5 : i32
      %get3A_350 = arith.index_cast %get3A_349 : i32 to index
      %get3A_351 = arith.constant 0 : index
      %get3A_352 = tpu.vector_load %arg12[%get3A_350, %get3A_351] {strides = array<i32>} : memref<16x16xf32, #tpu.memory_space<vmem>>, vector<16xf32>,
      %add3A_353 = arith.addf %add3A_348, %get3A_352 : vector<16xf32>
      %get3A_354 = arith.constant 6 : i32
      %get3A_355 = arith.index_cast %get3A_354 : i32 to index
      %get3A_356 = arith.constant 0 : index
      %get3A_357 = tpu.vector_load %arg12[%get3A_355, %get3A_356] {strides = array<i32>} : memref<16x16xf32, #tpu.memory_space<vmem>>, vector<16xf32>,
      %add3A_358 = arith.addf %add3A_353, %get3A_357 : vector<16xf32>
      %get3A_359 = arith.constant 7 : i32
      %get3A_360 = arith.index_cast %get3A_359 : i32 to index
      %get3A_361 = arith.constant 0 : index
      %get3A_362 = tpu.vector_load %arg12[%get3A_360, %get3A_361] {strides = array<i32>} : memref<16x16xf32, #tpu.memory_space<vmem>>, vector<16xf32>,
      %add3A_363 = arith.addf %add3A_358, %get3A_362 : vector<16xf32>
      %get3A_364 = arith.constant 8 : i32
      %get3A_365 = arith.index_cast %get3A_364 : i32 to index
      %get3A_366 = arith.constant 0 : index
      %get3A_367 = tpu.vector_load %arg12[%get3A_365, %get3A_366] {strides = array<i32>} : memref<16x16xf32, #tpu.memory_space<vmem>>, vector<16xf32>,
      %add3A_368 = arith.addf %add3A_363, %get3A_367 : vector<16xf32>
      %get3A_369 = arith.constant 9 : i32
      %get3A_370 = arith.index_cast %get3A_369 : i32 to index
      %get3A_371 = arith.constant 0 : index
      %get3A_372 = tpu.vector_load %arg12[%get3A_370, %get3A_371] {strides = array<i32>} : memref<16x16xf32, #tpu.memory_space<vmem>>, vector<16xf32>,
      %add3A_373 = arith.addf %add3A_368, %get3A_372 : vector<16xf32>
      %get3A_374 = arith.constant 10 : i32
      %get3A_375 = arith.index_cast %get3A_374 : i32 to index
      %get3A_376 = arith.constant 0 : index
      %get3A_377 = tpu.vector_load %arg12[%get3A_375, %get3A_376] {strides = array<i32>} : memref<16x16xf32, #tpu.memory_space<vmem>>, vector<16xf32>,
      %add3A_378 = arith.addf %add3A_373, %get3A_377 : vector<16xf32>
      %get3A_379 = arith.constant 11 : i32
      %get3A_380 = arith.index_cast %get3A_379 : i32 to index
      %get3A_381 = arith.constant 0 : index
      %get3A_382 = tpu.vector_load %arg12[%get3A_380, %get3A_381] {strides = array<i32>} : memref<16x16xf32, #tpu.memory_space<vmem>>, vector<16xf32>,
      %add3A_383 = arith.addf %add3A_378, %get3A_382 : vector<16xf32>
      %get3A_384 = arith.constant 12 : i32
      %get3A_385 = arith.index_cast %get3A_384 : i32 to index
      %get3A_386 = arith.constant 0 : index
      %get3A_387 = tpu.vector_load %arg12[%get3A_385, %get3A_386] {strides = array<i32>} : memref<16x16xf32, #tpu.memory_space<vmem>>, vector<16xf32>,
      %add3A_388 = arith.addf %add3A_383, %get3A_387 : vector<16xf32>
      %get3A_389 = arith.constant 13 : i32
      %get3A_390 = arith.index_cast %get3A_389 : i32 to index
      %get3A_391 = arith.constant 0 : index
      %get3A_392 = tpu.vector_load %arg12[%get3A_390, %get3A_391] {strides = array<i32>} : memref<16x16xf32, #tpu.memory_space<vmem>>, vector<16xf32>,
      %add3A_393 = arith.addf %add3A_388, %get3A_392 : vector<16xf32>
      %get3A_394 = arith.constant 14 : i32
      %get3A_395 = arith.index_cast %get3A_394 : i32 to index
      %get3A_396 = arith.constant 0 : index
      %get3A_397 = tpu.vector_load %arg12[%get3A_395, %get3A_396] {strides = array<i32>} : memref<16x16xf32, #tpu.memory_space<vmem>>, vector<16xf32>,
      %add3A_398 = arith.addf %add3A_393, %get3A_397 : vector<16xf32>
      %get3A_399 = arith.constant 15 : i32
      %get3A_400 = arith.index_cast %get3A_399 : i32 to index
      %get3A_401 = arith.constant 0 : index
      %get3A_402 = tpu.vector_load %arg12[%get3A_400, %get3A_401] {strides = array<i32>} : memref<16x16xf32, #tpu.memory_space<vmem>>, vector<16xf32>,
      %add3A_403 = arith.addf %add3A_398, %get3A_402 : vector<16xf32>
      %reduce_sum3A = arith.constant true
      %reduce_sum3A_404 = vector.broadcast %reduce_sum3A : i1 to vector<16xi1>
      %reduce_sum3A_405 = tpu.scan <sum>, %add3A_403 masked %reduce_sum3A_404 : vector<16xf32>, vector<16xi1> -> vector<16xf32>
      %reduce_sum3A_406 = vector.extract %reduce_sum3A_405[15] : f32 from vector<16xf32>
      %mul3A_407 = arith.constant 6.10351563E-5 : f32
      %mul3A_408 = arith.mulf %reduce_sum3A_406, %mul3A_407 : f32
      %broadcast_in_dim3A_409 = vector.broadcast %mul3A_408 : f32 to vector<16xf32>
      %swap3A_410 = arith.constant 0 : index
      %swap3A_411 = tpu.vector_load %arg13[%swap3A_410] {strides = array<i32>} : memref<16xf32, #tpu.memory_space<vmem>>, vector<16xf32>,
      tpu.vector_store %arg13[%swap3A_410], %broadcast_in_dim3A_409 {strides = array<i32>} : memref<16xf32, #tpu.memory_space<vmem>>, vector<16xf32>,
      "tpu.region"() ({
        %run_scoped3A = tpu.sem_alloc : memref<!tpu.dma_semaphore, #tpu.memory_space<semaphore_mem>>
        tpu.enqueue_dma source(%arg13 : memref<16xf32, #tpu.memory_space<vmem>>) target(%arg5 : memref<16xf32, #tpu.memory_space<hbm>>) target_semaphore(%run_scoped3A : memref<!tpu.dma_semaphore, #tpu.memory_space<semaphore_mem>>)
        tpu.wait_dma2 semaphore(%run_scoped3A : memref<!tpu.dma_semaphore, #tpu.memory_space<semaphore_mem>>) src(%arg13 : memref<16xf32, #tpu.memory_space<vmem>>) dst(%arg5 : memref<16xf32, #tpu.memory_space<hbm>>)
        tpu.yield
      }) : () -> ()
    } else {
    }
    return
  }
}

</mosaic_0001>

<sc_bundles>
// kernel: kernel.3.cloned.1.call-start
scs
__scs_entry_jumppad:
0x0: {  	(pc) =	sbr.rel $0x88, $3  }
0x1: {  	(tag) =	ssettag $0x0;
	lr =	simm.s32 $0x1  }
0x2: {  	[smem:$0x3F9B] =	sst lr;
	_ =	strace $0xD0000000  }
0x3: {  	_ = 	snop  }
0x4: {  	_ = 	snop  }
0x5: {  	_ = 	snop  }
0x6: {  	_ = 	snop  }
0x7: {  	_ = 	snop  }
__scs_overlays_trampoline_lowered:
0x8: {  	[smem:$0x3FAA] =	sst s0  }
0x9: {  	[smem:$0x3FAB] =	sst s1  }
0xa: {  	[smem:$0x3FAC] =	sst s2  }
0xb: {  	[smem:$0x3FAD] =	sst s3  }
0xc: {  	[smem:$0x3FAE] =	sst s4  }
0xd: {  	[smem:$0x3FAF] =	sst s5  }
0xe: {  	[smem:$0x3FB0] =	sst s6  }
0xf: {  	[smem:$0x3FB1] =	sst s7  }
0x10: {  	[smem:$0x3FB2] =	sst s8  }
0x11: {  	[smem:$0x3FB3] =	sst s9;
	s0 =	simm.s32 @!p0 $0x0  }
0x12: {  	s1 =	sld [smem:$0x3F99];
	s0 =	simm.s32 @p0 $0x1  }
0x13: {  	[smem:$0x3FB4] =	sst s0;
	s0 =	simm.s32 @!p1 $0x0  }
0x14: {  	s2 =	sld [smem:$0x3F98];
	s0 =	simm.s32 @p1 $0x1  }
0x15: {  	[smem:$0x3FB5] =	sst s0;
	s0 =	simm.s32 @!p2 $0x0  }
0x16: {  	s3 =	sld [smem:$0x3FDB];
	s0 =	simm.s32 @p2 $0x1  }
0x17: {  	s4 =	simm.s32 $0x1BF5;
	[smem:$0x3FB7] =	sst s0  }
0x18: {  	s0 =	sld [smem:$0x3F9A];
	_ =	swait.ge [sflag:s4], $0x0  }
0x19: {  	s7 =	sld [smem:$0x3F9B]  }
0x1a: {  	s8 =	sadd.s32 $0xFFFFE003, lr  }
0x1b: {  	s9 =	sadd.s32 $0xFFFFFEF7, lr;
	s5 =	simm.s32 $0xFFFFFFFF;
	p2 =	slt.u32 s8, $0xFFFFF086  }
0x1c: {  	p1 =	slt.u32 s9, $0xF7A;
	s5 =	simm.s32 @!p2 $0x0  }
0x1d: {  	s5 =	simm.s32 @p1 $0x1;
	p0 =	seq.s32 s7, s2  }
0x1e: {  	s7 =	smul.u32 @!p0 $0xF7A, s2;
	p2 =	seq.s32 @!p0 s5, $0x0  }
0x1f: {  	s9 =	smul.u32 $0xF7A, s1;
	s8 =	simm.s32 @!p0 $0x1BF5;
	p2 =	por !p2, p0  }
0x20: {  	[sflag:s8] =	ssyncset.s32 @!p0 $0xFFFFF086;
	s6 =	sadd.s32 @!p0 s3, s7;
	s7 =	simm.s32 @!p0 $0x108  }
0x21: {  	s3 =	sadd.s32 s3, s9;
	s6 =	sadd.s32 @!p0 $0x88, s6;
	s7 =	simm.s32 @p2 $0x1082  }
0x22: {  	[simem:s7], [sflag:s8] =	dma.local @!p0 [hbm:s6], $0xF7A  }
0x23: {  	s9 =	sor.u32 $0xD0000000, s2;
	s6 =	simm.s32 $0x108;
	_ =	swait.ge @!p0 [sflag:s8], $0x0  }
0x24: {  	s3 =	sadd.s32 $0x88, s3;
	s6 =	simm.s32 @!p1 $0x1082;
	[sflag:s4] =	ssyncset.s32 $0xFFFFF086  }
0x25: {  	[simem:s6], [sflag:s4] =	dma.local [hbm:s3], $0xF7A  }
0x26: {  	[smem:$0x3F9B] =	sst s1;
	(tag) =	ssettag s2;
	_ =	strace s9  }
0x27: {  	s1 =	sld [smem:$0x3FAB]  }
0x28: {  	s2 =	sld [smem:$0x3FAC]  }
0x29: {  	s4 =	sld [smem:$0x3FAE]  }
0x2a: {  	p0 =	seq.s32 s5, $0x0;
	s5 =	sld [smem:$0x3FAF]  }
0x2b: {  	s6 =	sld [smem:$0x3FB0]  }
0x2c: {  	s7 =	sld [smem:$0x3FB1]  }
0x2d: {  	s3 =	simm.s32 $0x108;
	s8 =	sld [smem:$0x3FB2]  }
0x2e: {  	s3 =	simm.s32 @!p0 $0x1082;
	s9 =	sld [smem:$0x3FB3]  }
0x2f: {  	lr =	sadd.s32 s0, s3;
	s0 =	sld [smem:$0x3FAA]  }
0x30: {  	s3 =	sld [smem:$0x3FAD]  }
0x31: {  	[smem:$0x3FB6] =	sst s10  }
0x32: {  	s10 =	sld [smem:$0x3FB4];
	_ =	sdelay $0x3  }
0x33: {  	p0 =	seq.s32 s10, $0x1;
	s10 =	sld [smem:$0x3FB6];
	_ =	sdelay $0x3  }
0x34: {  	[smem:$0x3FB6] =	sst s10  }
0x35: {  	s10 =	sld [smem:$0x3FB5];
	_ =	sdelay $0x3  }
0x36: {  	p1 =	seq.s32 s10, $0x1;
	s10 =	sld [smem:$0x3FB6];
	_ =	sdelay $0x3  }
0x37: {  	[smem:$0x3FB6] =	sst s10  }
0x38: {  	s10 =	sld [smem:$0x3FB7]  }
0x39: {  	_ = 	snop;
	(pc) =	sbr.ind lr, $3  }
0x3a: {  	_ = 	snop  }
0x3b: {  	_ = 	snop  }
0x3c: {  	p2 =	seq.s32 s10, $0x1;
	s10 =	sld [smem:$0x3FB6]  }
0x3d: {  	_ =	shalt  }
0x3e: {  	_ =	shalt  }
0x3f: {  	_ =	shalt  }
0x40: {  	_ =	shalt  }
0x41: {  	_ =	shalt  }
0x42: {  	_ =	shalt  }
0x43: {  	_ =	shalt  }
0x44: {  	_ =	shalt  }
0x45: {  	_ =	shalt  }
0x46: {  	_ =	shalt  }
0x47: {  	_ =	shalt  }
0x48: {  	_ =	shalt  }
0x49: {  	_ =	shalt  }
0x4a: {  	_ =	shalt  }
0x4b: {  	_ =	shalt  }
0x4c: {  	_ =	shalt  }
0x4d: {  	_ =	shalt  }
0x4e: {  	_ =	shalt  }
0x4f: {  	_ =	shalt  }
0x50: {  	_ =	shalt  }
0x51: {  	_ =	shalt  }
0x52: {  	_ =	shalt  }
0x53: {  	_ =	shalt  }
0x54: {  	_ =	shalt  }
0x55: {  	_ =	shalt  }
0x56: {  	_ =	shalt  }
0x57: {  	_ =	shalt  }
0x58: {  	_ =	shalt  }
0x59: {  	_ =	shalt  }
0x5a: {  	_ =	shalt  }
0x5b: {  	_ =	shalt  }
0x5c: {  	_ =	shalt  }
0x5d: {  	_ =	shalt  }
0x5e: {  	_ =	shalt  }
0x5f: {  	_ =	shalt  }
0x60: {  	_ =	shalt  }
0x61: {  	_ =	shalt  }
0x62: {  	_ =	shalt  }
0x63: {  	_ =	shalt  }
0x64: {  	_ =	shalt  }
0x65: {  	_ =	shalt  }
0x66: {  	_ =	shalt  }
0x67: {  	_ =	shalt  }
0x68: {  	_ =	shalt  }
0x69: {  	_ =	shalt  }
0x6a: {  	_ =	shalt  }
0x6b: {  	_ =	shalt  }
0x6c: {  	_ =	shalt  }
0x6d: {  	_ =	shalt  }
0x6e: {  	_ =	shalt  }
0x6f: {  	_ =	shalt  }
0x70: {  	_ =	shalt  }
0x71: {  	_ =	shalt  }
0x72: {  	_ =	shalt  }
0x73: {  	_ =	shalt  }
0x74: {  	_ =	shalt  }
0x75: {  	_ =	shalt  }
0x76: {  	_ =	shalt  }
0x77: {  	_ =	shalt  }
0x78: {  	_ =	shalt  }
0x79: {  	_ =	shalt  }
0x7a: {  	_ =	shalt  }
0x7b: {  	_ =	shalt  }
0x7c: {  	_ =	shalt  }
0x7d: {  	_ =	shalt  }
0x7e: {  	_ =	shalt  }
0x7f: {  	_ =	shalt  }
0x80: {  	_ =	shalt  }
0x81: {  	_ =	shalt  }
0x82: {  	_ =	shalt  }
0x83: {  	_ =	shalt  }
0x84: {  	_ =	shalt  }
0x85: {  	_ =	shalt  }
0x86: {  	_ =	shalt  }
0x87: {  	_ =	shalt  }
.Lfunc_end0:
.L_simem_size_0:
called_computation_lowered:
.L_overlay_start_0:
0x88: {  	s0 =	sld [smem:$0x3FD9]  }
0x89: {  	s1 =	sld [smem:$0x3FFE];
	_ =	sdelay $0x3  }
0x8a: {  	s0 =	sadd.s32 s1, s0  }
0x8b: {  	[smem:$0x3FC2] =	sst s0  }
0x8c: {  	_ = 	snop  }
0x8d: {  	s0 =	sld [smem:$0x3FD0];
	(tm) =	ssettm $0x1  }
0x8e: {  	s16 =	sld [smem:$0x3FFB];
	_ =	sdelay $0x3  }
0x8f: {  	_ =	strace s16  }
0x90: {  	s1 =	sld [smem:$0x3FFC];
	_ =	sdelay $0x3  }
0x91: {  	_ =	strace s1  }
0x92: {  	s1 =	sld [smem:$0x3FFD];
	_ =	sdelay $0x3  }
0x93: {  	_ =	strace s1  }
0x94: {  	_ =	strace $0x8FFFFFFF  }
0x95: {  	s17 =	sld [smem:$0x3FDB];
	_ =	sdelay $0x1  }
0x96: {  	s2 =	simm.s32 $_scs_section_size  }
0x97: {  	s3 =	simm.s32 $_size__tile_overlayer_lowered;
	s4 =	simm.s32 $_tile_overlayer_lowered  }
0x98: {  	s20 =	simm.s32 $0x1BFF;
	s19 =	sshll.u32 s4, $0x1;
	s1 =	sadd.s32 s2, s17  }
0x99: {  	s5 =	simm.s32 $0x0;
	s18 =	sshll.u32 s3, $0x1;
	s3 =	sadd.s32 s19, s1  }
0x9a: {  	[timem:s5], [sflag:s20] =	dma.local [hbm:s3], s18  }
0x9b: {  	_ =	swait.ge [sflag:s20], s18  }
0x9c: {  	s2 =	ssub.s32 $0x0, s18;
	[sflag:s20] =	ssyncset.done $0x0  }
0x9d: {  	[sflag:s20] =	ssyncadd.s32 s2;
	_ =	sdelay $0x1  }
0x9e: {  	s21 =	simm.s32 $0x1B8B  }
0x9f: {  	_ =	swait.ge [sflag:s21], $0x1  }
0xa0: {  	[sflag:s21] =	ssyncset.done $0x0  }
0xa1: {  	s23 =	simm.s32 $0x1B8E;
	s22 =	sld [smem:$0x3FFE];
	[sflag:s21] =	ssyncadd.s32 $0xFFFFFFFF  }
0xa2: {  	s24 =	simm.s32 $execute0_lowered;
	[smem:$0x3FD2] =	sst s23  }
0xa3: {  	s3 =	sshll.u32 s24, $0x1;
	_ =	strace $0x80000046;
	[dreg:$0x1] =	wrdreg $0xFFFFFFFF  }
0xa4: {  	s25 =	simm.s32 $_size_execute0_lowered;
	s1 =	sadd.s32 s1, s3;
	[dreg:$0x0] =	wrdreg $0x0  }
0xa5: {  	s3 =	sshll.u32 s25, $0x1;
	[dreg:$0x2] =	wrdreg s1  }
0xa6: {  	[dreg:$0x3] =	wrdreg s3  }
0xa7: {  	[dreg:$0x4] =	wrdreg $0xC0  }
0xa8: {  	_ =	task [dreg:s5], $0x5FFFF  }
0xa9: {  	[dreg:$0x1] =	wrdreg $0xFFFFFFFF  }
0xaa: {  	[dreg:$0x0] =	wrdreg $0x60  }
0xab: {  	[dreg:$0x2] =	wrdreg s22  }
0xac: {  	[dreg:$0x3] =	wrdreg s0  }
0xad: {  	[dreg:$0x4] =	wrdreg $0x19800  }
0xae: {  	[dreg:$0x5] =	wrdreg $0x9  }
0xaf: {  	_ =	task.clear_ibuf [dreg:s5], $0x6FFFF;
	_ =	strace $0x90000046  }
0xb0: {  	s26 =	simm.s32 $0x9;
	_ =	strace $0x80000048  }
0xb1: {  	_ =	swait.ge [sflag:s26], $0x1  }
0xb2: {  	[sflag:s26] =	ssyncadd.s32 $0xFFFFFFFF  }
0xb3: {  	_ =	strace $0x90000048  }
0xb4: {  	_ =	sfence  }
0xb5: {  	s28 =	sld [smem:$0x0];
	_ =	sdelay $0x1  }
0xb6: {  	s29 =	srdreg.scid  }
0xb7: {  	s30 =	sshll.u32 s29, $0xD;
	s31 =	sshrl.u32 s29, $0x2  }
0xb8: {  	s2 =	sand.u32 $0x4000, s30;
	s1 =	sand.u32 $0x1, s29;
	s0 =	sadd.s32 s31, s28  }
0xb9: {  	s1 =	sor.u32 s2, s1;
	s0 =	sshll.u32 s0, $0x11  }
0xba: {  	s0 =	sor.u32 s0, s1  }
0xbb: {  	s0 =	sadd.s32 $0x8F2B, s0  }
0xbc: {  	[sflag:s0] =	ssyncadd.remote.s32 $0x1  }
0xbd: {  	_ =	sfence.sel $0xFFFF  }
0xbe: {  	[dreg:$0x0] =	wrdreg $0xFFFFFFFF;
	(pc) =	sbr.abs _section_cstart, $3  }
0xbf: {  	[dreg:$0x1] =	wrdreg $0xFFFFFFFF  }
0xc0: {  	_ =	task.clear_ibuf [dreg:s5], $0x2FFFF;
	_ =	strace $0x9FFFFFFF  }
0xc1: {  	(tm) =	ssettm $0x7FFFFFFF  }
tec
execute0_lowered:
.L_overlay_start_1:
0x0: {  	(tag) =	ssettag $0x1  }
0x1: {  	s6 =	rddreg [dreg:$0x0];
	s3 =	stileid.u32  }
0x2: {  	s1 =	rddreg [dreg:$0x1];
	s5 =	smul.u32 $0x180, s3  }
0x3: {  	s2 =	rddreg [dreg:$0x2];
	s4 =	simm.s32 $0x0  }
0x4: {  	[smem:$0x7FF] =	sst s4;
	s5 =	sadd.s32 s5, s6  }
0x5: {  	s0 =	rddreg [dreg:$0x3];
	v0 =	vlaneseq.u32;
	_ =	strace $0x80000047;
	s7 =	sadd.s32 $0xE00, s5  }
0x6: {  	v1 =	vshrl.u32 v0, $0x2;
	[tilespmem:s4], [sflag:$0x1] =	stream.linear.gather [hbm4b:s7+s4], $0xC00, $0x38;
	[tilespmem:$0x2210] =	vst v63  }
0x7: {  	v1 =	vand.u32 $0x1, v1;
	s21 =	sadd.s32 $0x2600, s5;
	s5 =	simm.s32 $0xC00  }
0x8: {  	v1 =	vmul.u32 $0x10, v1;
	[tilespmem:s5], [sflag:$0x2] =	stream.linear.gather [hbm4b:s21+s4], $0xC00, $0x38;
	[tilespmem:$0x2210] =	vst v63  }
0x9: {  	s23 =	simm.s32 $0x1800;
	s24 =	simm.s32 $0x3;
	s22 =	sadd.s32 $0x3E00, s6;
	v2 =	vand.u32 $0x1, v0  }
0xa: {  	v4 =	vshrl.u32 v0, $0x1;
	v2 =	vmul.u32 $0x10, v2;
	v3 =	vor.u32 $0x1, v1;
	[tilespmem:s23], [sflag:$0x3] =	stream.linear.gather [hbm4b:s22+s4], $0x80, $0x38;
	[tilespmem:$0x2210] =	vst v63  }
0xb: {  	v4 =	vand.u32 $0x1, v4;
	_ =	swait.ge [sflag:s24], $0x80  }
0xc: {  	v4 =	vmul.u32 $0x10, v4;
	v5 =	vor.u32 $0x1, v2;
	[sflag:s24] =	ssyncset.done $0x0  }
0xd: {  	[sflag:s24] =	ssyncadd.s32 $0xFFFFFF80  }
0xe: {  	v7 =	vor.u32 $0x4, v4;
	v6 =	vld.idx.msk [tilespmem:v1+s23+$0x0], $0xffff  }
0xf: {  	v8 =	vor.u32 $0x5, v4;
	v3 =	vld.idx.msk [tilespmem:v3+s23+$0x0], $0xffff  }
0x10: {  	v9 =	vld.idx.msk [tilespmem:v2+s23+$0x0], $0xffff  }
0x11: {  	v10 =	vor.u32 $0x6, v4;
	v5 =	vld.idx.msk [tilespmem:v5+s23+$0x0], $0xffff;
	_ =	sdelay $0x1  }
0x12: {  	v7 =	vld.idx.msk [tilespmem:v7+s23+$0x0], $0xffff  }
0x13: {  	v8 =	vld.idx.msk [tilespmem:v8+s23+$0x0], $0xffff  }
0x14: {  	v11 =	vmul.f32 v6, v6;
	v12 =	vmul.f32 v3, v3  }
0x15: {  	v10 =	vld.idx.msk [tilespmem:v10+s23+$0x0], $0xffff;
	v13 =	vmul.f32 v9, v9;
	v14 =	vmul.f32 v5, v5  }
0x16: {  	v11 =	vadd.f32 v12, v11  }
0x17: {  	v12 =	vadd.f32 v14, v13  }
0x18: {  	v15 =	vmul.f32 v8, v8;
	v14 =	vmul.f32 v7, v7;
	v13 =	vshrl.u32 v11, $0x1  }
0x19: {  	v16 =	vmul.f32 $5.000000000e-01, v11;
	v17 =	vshrl.u32 v12, $0x1;
	v18 =	vmul.f32 $5.000000000e-01, v12  }
0x1a: {  	v14 =	vadd.f32 v15, v14;
	v15 =	vmul.f32 v10, v10;
	v13 =	vsub.s32 $0x5F3759DF, v13  }
0x1b: {  	v17 =	vsub.s32 $0x5F3759DF, v17;
	v19 =	vmul.f32 v13, v16  }
0x1c: {  	v20 =	vmul.f32 v17, v18;
	v14 =	vadd.f32 v15, v14  }
0x1d: {  	v15 =	vmul.f32 v13, v19  }
0x1e: {  	v19 =	vmul.f32 v17, v20;
	v56 =	vshrl.u32 v14, $0x1;
	v21 =	vmul.f32 $5.000000000e-01, v14  }
0x1f: {  	v20 =	vsub.s32 $0x5F3759DF, v56;
	v15 =	vsub.f32 $1.500000000e+00, v15  }
0x20: {  	v19 =	vsub.f32 $1.500000000e+00, v19;
	v22 =	vmul.f32 v20, v21  }
0x21: {  	v13 =	vmul.f32 v13, v15  }
0x22: {  	v15 =	vmul.f32 v17, v19;
	v17 =	vmul.f32 v20, v22  }
0x23: {  	v19 =	vmul.f32 v13, v16  }
0x24: {  	v57 =	vmul.f32 v15, v18;
	v17 =	vsub.f32 $1.500000000e+00, v17  }
0x25: {  	v19 =	vmul.f32 v19, v13  }
0x26: {  	v22 =	vmul.f32 v57, v15;
	v17 =	vmul.f32 v20, v17  }
0x27: {  	v19 =	vsub.f32 $1.500000000e+00, v19  }
0x28: {  	v58 =	vsub.f32 $1.500000000e+00, v22;
	v59 =	vmul.f32 v17, v21  }
0x29: {  	v13 =	vmul.f32 v19, v13  }
0x2a: {  	v15 =	vmul.f32 v58, v15;
	v19 =	vmul.f32 v59, v17  }
0x2b: {  	v60 =	vmul.f32 v13, v16  }
0x2c: {  	v61 =	vmul.f32 v15, v18;
	v19 =	vsub.f32 $1.500000000e+00, v19  }
0x2d: {  	v20 =	vmul.f32 v60, v13  }
0x2e: {  	v22 =	vmul.f32 v61, v15;
	v17 =	vmul.f32 v19, v17  }
0x2f: {  	v19 =	vsub.f32 $1.500000000e+00, v20  }
0x30: {  	v62 =	vsub.f32 $1.500000000e+00, v22;
	v63 =	vmul.f32 v17, v21  }
0x31: {  	v13 =	vmul.f32 v19, v13  }
0x32: {  	v15 =	vmul.f32 v62, v15;
	v19 =	vmul.f32 v63, v17  }
0x33: {  	v16 =	vmul.f32 v13, v16  }
0x34: {  	v18 =	vmul.f32 v15, v18;
	v19 =	vsub.f32 $1.500000000e+00, v19  }
0x35: {  	v16 =	vmul.f32 v16, v13  }
0x36: {  	v17 =	vmul.f32 v19, v17;
	v18 =	vmul.f32 v18, v15  }
0x37: {  	v16 =	vsub.f32 $1.500000000e+00, v16  }
0x38: {  	v18 =	vsub.f32 $1.500000000e+00, v18;
	v19 =	vmul.f32 v17, v21  }
0x39: {  	v13 =	vmul.f32 v16, v13  }
0x3a: {  	v15 =	vmul.f32 v18, v15;
	v16 =	vor.u32 $0x2, v1;
	v18 =	vmul.f32 v19, v17  }
0x3b: {  	v1 =	vor.u32 $0x3, v1;
	v11 =	vmul.f32 v13, v11  }
0x3c: {  	v13 =	vor.u32 $0x2, v2;
	v12 =	vmul.f32 v15, v12;
	v15 =	vsub.f32 $1.500000000e+00, v18  }
0x3d: {  	v2 =	vor.u32 $0x3, v2;
	v18 =	vadd.f32 $1.000000010e-07, v11  }
0x3e: {  	v15 =	vmul.f32 v15, v17;
	v17 =	vadd.f32 $1.000000010e-07, v12  }
0x3f: {  	v16 =	vld.idx.msk [tilespmem:v16+s23+$0x0], $0xffff;
	(erf) = vrcp.f32 v18  }
0x40: {  	v1 =	vld.idx.msk [tilespmem:v1+s23+$0x0], $0xffff;
	v14 =	vmul.f32 v15, v14;
	(erf) = vrcp.f32 v17  }
0x41: {  	v13 =	vld.idx.msk [tilespmem:v13+s23+$0x0], $0xffff  }
0x42: {  	v2 =	vld.idx.msk [tilespmem:v2+s23+$0x0], $0xffff;
	v15 =	vadd.f32 $1.000000010e-07, v14;
	_ =	sdelay $0x1  }
0x43: {  	(erf) = vrcp.f32 v15  }
0x44: {  	v15 =	vor.u32 $0x7, v4  }
0x45: {  	v6 =	vmul.f32 v16, v6;
	v1 =	vmul.f32 v1, v3;
	v3 =	vor.u32 $0x8, v4  }
0x46: {  	v9 =	vmul.f32 v13, v9;
	v2 =	vmul.f32 v2, v5  }
0x47: {  	vm0 =	vgt.f32 v11, $1.000000000e+00;
	v4 =	vor.u32 $0x9, v4;
	v5 =	vpop (erf)  }
0x48: {  	vm1 =	vgt.f32 v12, $1.000000000e+00;
	v1 =	vadd.f32 v1, v6;
	v2 =	vadd.f32 v2, v9;
	v11 =	vpop (erf)  }
0x49: {  	v9 =	vld.idx.msk [tilespmem:v15+s23+$0x0], $0xffff;
	v5 =	vnsel vm0, $0x3F800000, v5;
	v6 =	vnsel vm1, $0x3F800000, v11  }
0x4a: {  	v3 =	vld.idx.msk [tilespmem:v3+s23+$0x0], $0xffff;
	v1 =	vmul.f32 v5, v1;
	v2 =	vmul.f32 v6, v2;
	_ =	sdelay $0x1  }
0x4b: {  	vm15 =	vgt.f32 v14, $1.000000000e+00;
	v1 =	vsub.f32 v1, v2;
	v2 =	vld.idx.msk [tilespmem:v4+s23+$0x0], $0xffff;
	v4 =	vpop (erf)  }
0x4c: {  	v4 =	vnsel vm15, $0x3F800000, v4  }
0x4d: {  	v5 =	vmul.f32 v1, v9;
	v6 =	vmul.f32 v4, v7  }
0x4e: {  	v3 =	vmul.f32 v1, v3;
	v7 =	vmul.f32 v4, v8  }
0x4f: {  	v5 =	vadd.f32 v6, v5  }
0x50: {  	v3 =	vadd.f32 v7, v3;
	v1 =	vmul.f32 v1, v2;
	v2 =	vmul.f32 v4, v10;
	_ =	sdelay $0x1  }
0x51: {  	v4 =	vand.u32 $0x7FFFFFFF, v5;
	v3 =	vand.u32 $0x7FFFFFFF, v3;
	v1 =	vadd.f32 v2, v1  }
0x52: {  	v2 =	vadd.f32 v3, v4  }
0x53: {  	v1 =	vand.u32 $0x7FFFFFFF, v1  }
0x54: {  	v1 =	vadd.f32 v2, v1  }
0x55: {  	v2 =	vmov s4  }
0x56: {  	v2 =	vmul.u32 $0x3, v2;
	v1 =	vmul.f32 v1, v1;
	_ =	sdelay $0x1  }
0x57: {  	s25 =	simm.s32 $0x1;
	v0 =	vmul.u32 $0x3, v0;
	v3 =	vbroadcast v2, $0x0;
	[tilespmem:$0x1880] =	vst v1  }
0x58: {  	_ =	swait.ge [sflag:s25], $0xC00  }
0x59: {  	s28 =	simm.s32 $0x10;
	v4 =	vadd.s32 v0, v3;
	[sflag:s25] =	ssyncset.done $0x0  }
0x5a: {  	s26 =	simm.s32 $0x2;
	v5 =	vmov s28;
	v1 =	vadd.s32 $0x1, v0;
	[sflag:s25] =	ssyncadd.s32 $0xFFFFF400  }
0x5b: {  	s29 =	simm.s32 $0x20;
	v5 =	vmul.u32 $0x3, v5;
	v6 =	vadd.s32 v1, v3;
	_ =	swait.ge [sflag:s26], $0xC00  }
0x5c: {  	v10 =	vmov s29;
	v2 =	vadd.s32 $0x2, v0;
	[sflag:s26] =	ssyncset.done $0x0  }
0x5d: {  	v10 =	vmul.u32 $0x3, v10;
	v5 =	vbroadcast v5, $0x0;
	v3 =	vadd.s32 v2, v3;
	[sflag:s26] =	ssyncadd.s32 $0xFFFFF400  }
0x5e: {  	v7 =	vld.idx.msk [tilespmem:v4+s4+$0x0], $0xffff  }
0x5f: {  	v10 =	vbroadcast v10, $0x0;
	v8 =	vadd.s32 v0, v5;
	v4 =	vld.idx.msk [tilespmem:v4+s5+$0x0], $0xffff  }
0x60: {  	v9 =	vld.idx.msk [tilespmem:v6+s5+$0x0], $0xffff  }
0x61: {  	v14 =	vadd.s32 v0, v10;
	v6 =	vld.idx.msk [tilespmem:v6+s4+$0x0], $0xffff  }
0x62: {  	v11 =	vld.idx.msk [tilespmem:v3+s5+$0x0], $0xffff  }
0x63: {  	v12 =	vadd.s32 v1, v5;
	v3 =	vld.idx.msk [tilespmem:v3+s4+$0x0], $0xffff  }
0x64: {  	v13 =	vld.idx.msk [tilespmem:v8+s4+$0x0], $0xffff  }
0x65: {  	v5 =	vadd.s32 v2, v5;
	v8 =	vld.idx.msk [tilespmem:v8+s5+$0x0], $0xffff;
	v4 =	vshll.u32 v4, $0x2;
	v9 =	vshll.u32 v9, $0x1  }
0x66: {  	v15 =	vld.idx.msk [tilespmem:v14+s4+$0x0], $0xffff;
	v7 =	vshll.u32 v7, $0x2;
	v6 =	vshll.u32 v6, $0x1;
	v4 =	vadd.s32 v4, v9  }
0x67: {  	s30 =	simm.s32 $0x30;
	v14 =	vld.idx.msk [tilespmem:v14+s5+$0x0], $0xffff;
	v6 =	vadd.s32 v7, v6;
	v4 =	vadd.s32 v11, v4  }
0x68: {  	v9 =	vld.idx.msk [tilespmem:v12+s5+$0x0], $0xffff;
	v7 =	vmov s30;
	v3 =	vadd.s32 v3, v6  }
0x69: {  	v11 =	vld.idx.msk [tilespmem:v12+s4+$0x0], $0xffff;
	v6 =	vmul.u32 $0x3, v7;
	v7 =	vadd.s32 v1, v10  }
0x6a: {  	v12 =	vld.idx.msk [tilespmem:v5+s5+$0x0], $0xffff  }
0x6b: {  	s6 =	simm.s32 $0x1880;
	v5 =	vld.idx.msk [tilespmem:v5+s4+$0x0], $0xffff;
	v16 =	vbroadcast v6, $0x0;
	v6 =	vadd.s32 v2, v10  }
0x6c: {  	v10 =	vld.idx.msk [tilespmem:v4+s6+$0x0], $0xffff  }
0x6d: {  	v4 =	vshll.u32 v8, $0x2;
	v8 =	vshll.u32 v9, $0x1;
	v9 =	vadd.s32 v0, v16;
	v3 =	vld.idx.msk [tilespmem:v3+s6+$0x0], $0xffff  }
0x6e: {  	v17 =	vld.idx.msk [tilespmem:v7+s5+$0x0], $0xffff;
	v4 =	vadd.s32 v4, v8  }
0x6f: {  	s31 =	simm.s32 $0x40;
	v11 =	vshll.u32 v11, $0x1;
	v8 =	vshll.u32 v13, $0x2;
	v13 =	vld.idx.msk [tilespmem:v7+s4+$0x0], $0xffff;
	v4 =	vadd.s32 v12, v4  }
0x70: {  	v19 =	vadd.s32 v1, v16;
	v7 =	vadd.s32 v8, v11;
	v8 =	vmov s31;
	v18 =	vld.idx.msk [tilespmem:v6+s5+$0x0], $0xffff  }
0x71: {  	v6 =	vld.idx.msk [tilespmem:v6+s4+$0x0], $0xffff;
	v5 =	vadd.s32 v5, v7;
	v8 =	vmul.u32 $0x3, v8  }
0x72: {  	v7 =	vld.idx.msk [tilespmem:v9+s4+$0x0], $0xffff  }
0x73: {  	v11 =	vadd.s32 v2, v16;
	v8 =	vbroadcast v8, $0x0;
	v10 =	vsub.f32 v3, v10;
	v9 =	vld.idx.msk [tilespmem:v9+s5+$0x0], $0xffff  }
0x74: {  	v14 =	vshll.u32 v14, $0x2;
	v16 =	vshll.u32 v17, $0x1;
	v4 =	vld.idx.msk [tilespmem:v4+s6+$0x0], $0xffff  }
0x75: {  	v12 =	vadd.s32 v0, v8;
	v17 =	vadd.f32 $1.000000000e+00, v10;
	v10 =	vadd.s32 v14, v16;
	v14 =	vld.idx.msk [tilespmem:v19+s5+$0x0], $0xffff  }
0x76: {  	v15 =	vshll.u32 v15, $0x2;
	v16 =	vshll.u32 v13, $0x1;
	v5 =	vld.idx.msk [tilespmem:v5+s6+$0x0], $0xffff;
	v10 =	vadd.s32 v18, v10  }
0x77: {  	s7 =	simm.s32 $0x50;
	v3 =	vimm.f32 $0.0e+00;
	v13 =	vld.idx.msk [tilespmem:v19+s4+$0x0], $0xffff;
	v16 =	vadd.s32 v15, v16;
	v15 =	vmax.f32 v17, $0.0e+00  }
.LBB2_1:
0x78: {  	v17 =	vmov s7;
	p0 =	sne.s32 s7, $0x3F0;
	s7 =	sadd.s32 $0x10, s7;
	v18 =	vld.idx.msk [tilespmem:v11+s5+$0x0], $0xffff;
	v16 =	vadd.s32 v6, v16;
	v3 =	vadd.f32 v15, v3;
	v15 =	vmovc v7  }
0x79: {  	v19 =	vadd.s32 v1, v8;
	v17 =	vmul.u32 $0x3, v17;
	v6 =	vld.idx.msk [tilespmem:v11+s4+$0x0], $0xffff  }
0x7a: {  	v7 =	vld.idx.msk [tilespmem:v12+s4+$0x0], $0xffff  }
.Ltmp0:
0x7b: {  	v11 =	vadd.s32 v2, v8;
	v8 =	vbroadcast v17, $0x0;
	v17 =	vsub.f32 v5, v4;
	v4 =	vld.idx.msk [tilespmem:v10+s6+$0x0], $0xffff;
	(pc) =	sbr.rel @p0 .LBB2_1-.Ltmp0, $4  }
0x7c: {  	v5 =	vshll.u32 v9, $0x2;
	v10 =	vshll.u32 v14, $0x1;
	v9 =	vld.idx.msk [tilespmem:v12+s5+$0x0], $0xffff  }
0x7d: {  	v10 =	vadd.s32 v5, v10;
	v12 =	vadd.s32 v0, v8;
	v5 =	vld.idx.msk [tilespmem:v16+s6+$0x0], $0xffff;
	v17 =	vadd.f32 $1.000000000e+00, v17  }
0x7e: {  	v15 =	vshll.u32 v15, $0x2;
	v16 =	vshll.u32 v13, $0x1;
	v10 =	vadd.s32 v18, v10;
	v14 =	vld.idx.msk [tilespmem:v19+s5+$0x0], $0xffff  }
0x7f: {  	v16 =	vadd.s32 v15, v16;
	v13 =	vld.idx.msk [tilespmem:v19+s4+$0x0], $0xffff;
	v15 =	vmax.f32 v17, $0.0e+00  }
0x80: {  	_ =	sdelay $0x2  }
0x81: {  	v0 =	vadd.s32 v1, v8  }
0x82: {  	v54 =	vld.idx.msk [tilespmem:v11+s5+$0x0], $0xffff  }
0x83: {  	v55 =	vld.idx.msk [tilespmem:v11+s4+$0x0], $0xffff;
	v2 =	vadd.s32 v2, v8  }
0x84: {  	v56 =	vld.idx.msk [tilespmem:v12+s4+$0x0], $0xffff  }
0x85: {  	v57 =	vld.idx.msk [tilespmem:v12+s5+$0x0], $0xffff  }
0x86: {  	v17 =	vld.idx.msk [tilespmem:v0+s5+$0x0], $0xffff  }
0x87: {  	v0 =	vld.idx.msk [tilespmem:v0+s4+$0x0], $0xffff  }
0x88: {  	v9 =	vshll.u32 v9, $0x2;
	v14 =	vshll.u32 v14, $0x1;
	v18 =	vld.idx.msk [tilespmem:v2+s5+$0x0], $0xffff  }
0x89: {  	v7 =	vshll.u32 v7, $0x2;
	v9 =	vadd.s32 v9, v14;
	v13 =	vshll.u32 v13, $0x1;
	v2 =	vld.idx.msk [tilespmem:v2+s4+$0x0], $0xffff  }
0x8a: {  	v6 =	vadd.s32 v6, v16;
	v1 =	vadd.s32 v54, v9;
	v7 =	vadd.s32 v7, v13  }
0x8b: {  	v58 =	vshll.u32 v57, $0x2;
	v8 =	vshll.u32 v56, $0x2;
	v59 =	vshll.u32 v17, $0x1  }
0x8c: {  	v7 =	vadd.s32 v55, v7;
	v0 =	vshll.u32 v0, $0x1;
	v9 =	vadd.s32 v58, v59  }
0x8d: {  	v0 =	vadd.s32 v8, v0;
	v9 =	vadd.s32 v18, v9  }
0x8e: {  	v60 =	vld.idx.msk [tilespmem:v10+s6+$0x0], $0xffff;
	v0 =	vadd.s32 v2, v0  }
0x8f: {  	v61 =	vld.idx.msk [tilespmem:v6+s6+$0x0], $0xffff  }
0x90: {  	v1 =	vld.idx.msk [tilespmem:v1+s6+$0x0], $0xffff  }
0x91: {  	v62 =	vld.idx.msk [tilespmem:v7+s6+$0x0], $0xffff  }
0x92: {  	v4 =	vsub.f32 v5, v4;
	v63 =	vld.idx.msk [tilespmem:v9+s6+$0x0], $0xffff  }
0x93: {  	v0 =	vld.idx.msk [tilespmem:v0+s6+$0x0], $0xffff  }
0x94: {  	v4 =	vadd.f32 $1.000000000e+00, v4;
	v2 =	vsub.f32 v61, v60  }
0x95: {  	v3 =	vadd.f32 v15, v3  }
0x96: {  	v4 =	vmax.f32 v4, $0.0e+00;
	v2 =	vadd.f32 $1.000000000e+00, v2;
	v1 =	vsub.f32 v62, v1  }
0x97: {  	v3 =	vadd.f32 v4, v3  }
0x98: {  	v2 =	vmax.f32 v2, $0.0e+00;
	v1 =	vadd.f32 $1.000000000e+00, v1;
	v0 =	vsub.f32 v0, v63  }
0x99: {  	v2 =	vadd.f32 v2, v3  }
0x9a: {  	v1 =	vmax.f32 v1, $0.0e+00;
	v0 =	vadd.f32 $1.000000000e+00, v0  }
0x9b: {  	v1 =	vadd.f32 v1, v2  }
0x9c: {  	v0 =	vmax.f32 v0, $0.0e+00  }
0x9d: {  	v0 =	vadd.f32 v0, v1  }
0x9e: {  	s29 =	sshll.u32 s3, $0x7  }
0x9f: {  	s30 =	simm.s32 $0x1900;
	s31 =	simm.s32 $0x4;
	s4 =	sadd.s32 s29, s2;
	[tilespmem:$0x1900] =	vst v0  }
0xa0: {  	[spmem:s4] =	stream.linear.scatter [tilespmem:s30], [sflag:$0x4], $0x80, $0x38;
	[tilespmem:$0x2210] =	vst v63  }
0xa1: {  	_ =	swait.ge [sflag:s31], $0x80  }
0xa2: {  	[sflag:s31] =	ssyncset.done $0x0  }
0xa3: {  	[sflag:s31] =	ssyncadd.s32 $0xFFFFFF80  }
0xa4: {  	p0 =	sne.s32 s3, $0x0;
	[bflag:$0x0] =	sbarrier.arrive $0xFFFF  }
0xa5: {  	_ =	sfence.sel @p0 $0x180000  }
0xa6: {  	[bflag:$0x0] =	sbarrier.arrive @p0 $0xFFFF  }
0xa7: {  	_ =	strace @p0 $0x90000047  }
0xa8: {  	s3 =	simm.s32 @!p0 $0x1990;
	[bflag:$0x2] =	sbarrier.arrive @p0 $0xFFFF  }
0xa9: {  	[tilespmem:s3], [sflag:$0x4] =	stream.linear.gather @!p0 [spmem:s2], $0x800, $0x38;
	[tilespmem:$0x2210] =	vst v63  }
0xaa: {  	s2 =	simm.s32 @!p0 $0x4  }
0xab: {  	_ =	swait.ge @!p0 [sflag:s2], $0x800  }
0xac: {  	[sflag:s2] =	ssyncset.done @!p0 $0x0  }
0xad: {  	[sflag:s2] =	ssyncadd.s32 @!p0 $0xFFFFF800  }
0xae: {  	v0 =	vld @!p0 [tilespmem:$0x1990]  }
0xaf: {  	v1 =	vld @!p0 [tilespmem:$0x1A10];
	_ =	sdelay $0x1  }
0xb0: {  	v2 =	vld @!p0 [tilespmem:$0x1A90];
	_ =	sdelay $0x1  }
0xb1: {  	v3 =	vld @!p0 [tilespmem:$0x1B10]  }
0xb2: {  	v0 =	vadd.f32 @!p0 v1, v0  }
0xb3: {  	v1 =	vld @!p0 [tilespmem:$0x1B90]  }
0xb4: {  	v0 =	vadd.f32 @!p0 v2, v0  }
0xb5: {  	v2 =	vld @!p0 [tilespmem:$0x1C10]  }
0xb6: {  	v0 =	vadd.f32 @!p0 v3, v0  }
0xb7: {  	v3 =	vld @!p0 [tilespmem:$0x1C90]  }
0xb8: {  	v0 =	vadd.f32 @!p0 v1, v0  }
0xb9: {  	v1 =	vld @!p0 [tilespmem:$0x1D10]  }
0xba: {  	v0 =	vadd.f32 @!p0 v2, v0  }
0xbb: {  	v2 =	vld @!p0 [tilespmem:$0x1D90]  }
0xbc: {  	v0 =	vadd.f32 @!p0 v3, v0  }
0xbd: {  	v3 =	vld @!p0 [tilespmem:$0x1E10]  }
0xbe: {  	v0 =	vadd.f32 @!p0 v1, v0  }
0xbf: {  	v1 =	vld @!p0 [tilespmem:$0x1E90]  }
0xc0: {  	v0 =	vadd.f32 @!p0 v2, v0  }
0xc1: {  	v2 =	vld @!p0 [tilespmem:$0x1F10]  }
0xc2: {  	v0 =	vadd.f32 @!p0 v3, v0  }
0xc3: {  	v3 =	vld @!p0 [tilespmem:$0x1F90]  }
0xc4: {  	v0 =	vadd.f32 @!p0 v1, v0  }
0xc5: {  	v1 =	vld @!p0 [tilespmem:$0x2010]  }
0xc6: {  	v0 =	vadd.f32 @!p0 v2, v0  }
0xc7: {  	v2 =	vld @!p0 [tilespmem:$0x2090]  }
0xc8: {  	v0 =	vadd.f32 @!p0 v3, v0  }
0xc9: {  	v3 =	vld @!p0 [tilespmem:$0x2110]  }
0xca: {  	v0 =	vadd.f32 @!p0 v1, v0;
	_ =	sdelay $0x1  }
0xcb: {  	v0 =	vadd.f32 @!p0 v2, v0;
	_ =	sdelay $0x1  }
0xcc: {  	v0 =	vadd.f32 @!p0 v3, v0;
	_ =	sdelay $0x1  }
0xcd: {  	(xrf2) =	vadd.scan.msk.f32 @!p0 $0xffff, v0;
	_ =	sdelay $0x9  }
0xce: {  	v0, _, _ =	vpop @!p0 (xrf2)  }
0xcf: {  	(v2sf) =	vpush @!p0 v0, $0xF;
	_ =	sdelay $0xe  }
0xd0: {  	s3 =	spop @!p0 (v2sf)  }
0xd1: {  	s3 =	smul.f32 @!p0 $6.103515630e-05, s3;
	_ =	sdelay $0x1  }
0xd2: {  	v0 =	vmov @!p0 s3  }
0xd3: {  	s4 =	simm.s32 @!p0 $0x2190;
	s3 =	simm.s32 @!p0 $0x0;
	[tilespmem:$0x2190] =	vst @!p0 v0  }
0xd4: {  	[hbm4b:s1+s3] =	stream.linear.scatter @!p0 [tilespmem:s4], [sflag:$0x4], $0x80, $0x38;
	[tilespmem:$0x2210] =	vst v63  }
0xd5: {  	_ =	swait.ge @!p0 [sflag:s2], $0x80  }
0xd6: {  	[sflag:s2] =	ssyncset.done @!p0 $0x0  }
0xd7: {  	[sflag:s2] =	ssyncadd.s32 @!p0 $0xFFFFFF80  }
0xd8: {  	_ =	sfence.sel @!p0 $0x180000  }
0xd9: {  	[bflag:$0x0] =	sbarrier.arrive @!p0 $0xFFFF  }
0xda: {  	_ =	strace @!p0 $0x90000047  }
0xdb: {  	s0 =	sadd.s32 @!p0 $0x100000, s0;
	[bflag:$0x2] =	sbarrier.arrive @!p0 $0xFFFF  }
0xdc: {  	[sflag:s0] =	ssyncadd.tile.s32 @!p0 $0x1;
	_ =	shalt  }
.Lfunc_end2:
_tile_overlayer_lowered:
.L_overlay_start_2:
0xdd: {  	(tag) =	ssettag $0x2  }
0xde: {  	s0 =	rddreg [dreg:$0x0];
	s2 =	stileid.u32  }
0xdf: {  	s1 =	rddreg [dreg:$0x1];
	p0 =	sne.s32 s2, $0x0  }
0xe0: {  	s3 =	rddreg [dreg:$0x2];
	[bflag:$0x3] =	sbarrier.arrive $0xFFFF;
	s2 =	simm.s32 @!p0 $0x1C04  }
0xe1: {  	[timem:s3], [sflag:s2] =	dma.local @!p0 [hbm:s0], s1  }
0xe2: {  	s0 =	simm.s32 @!p0 $0x4  }
0xe3: {  	_ =	swait.ge @!p0 [sflag:s0], s1  }
0xe4: {  	s1 =	ssub.s32 @!p0 $0x0, s1;
	[sflag:s0] =	ssyncset.done @!p0 $0x0  }
0xe5: {  	[sflag:s0] =	ssyncadd.s32 @!p0 s1  }
0xe6: {  	[bflag:$0x3] =	sbarrier.arrive $0xFFFF  }
0xe7: {  	_ =	shalt  }

</sc_bundles>
